<compile_context>
chip_gen: v7x
topology: tpu7x:2x2x1
jax: 0.10.2.dev20260603
libtpu: 0.0.44.dev20260713+nightly
codegen_flags: <defaults>
</compile_context>

<pallas_src>
import functools

import jax
import jax.numpy as jnp
from jax import lax
from jax.experimental import pallas as pl
from jax.experimental.pallas import tpu as pltpu
from jax.experimental.pallas import tpu_sc as plsc

N_ROWS = 320000
D = 128
N_WORKERS = 32
ROWS_PER_W = N_ROWS // N_WORKERS
CHUNK = 200
N_CHUNKS = ROWS_PER_W // CHUNK
NV = D // 16


def _sc_body(feat_hbm, lbl_hbm, edge_out, meta_out,
             lbl_v, fbuf, ebuf, mbuf, febuf, fmeta, intbuf, sem0, sem1):
    c = lax.axis_index("c")
    s = lax.axis_index("s")
    wid = s * 2 + c
    row0 = wid * ROWS_PER_W

    pltpu.sync_copy(lbl_hbm.at[pl.ds(row0, ROWS_PER_W)],
                    lbl_v.at[pl.ds(0, ROWS_PER_W)])

    sems = (sem0, sem1)

    def start(ci, b):
        pltpu.async_copy(feat_hbm.at[pl.ds(row0 + ci * CHUNK, CHUNK)],
                         fbuf.at[b], sems[b])

    def wait(ci, b):
        pltpu.make_async_copy(feat_hbm.at[pl.ds(row0 + ci * CHUNK, CHUNK)],
                              fbuf.at[b], sems[b]).wait()

    start(0, 0)
    start(1, 1)

    zero_v = jnp.zeros((16,), jnp.float32)
    ii = lax.iota(jnp.int32, 16)

    for j in range(NV):
        febuf[pl.ds(j * 16, 16)] = zero_v
    fmeta[pl.ds(0, 16)] = zero_v
    intbuf[pl.ds(0, 16)] = zero_v

    init = dict(
        prev=jnp.int32(-1),
        cnt=jnp.float32(0.0),
        nseg=jnp.int32(0),
        acc=[zero_v] * NV,
    )

    def row_step(b, gr0, r, st):
        gr = gr0 + r
        lbl = lbl_v[pl.ds(gr, 16)][0]
        boundary = jnp.logical_and(gr > 0, lbl != st["prev"])
        bf = jnp.logical_and(boundary, st["nseg"] == 0)
        bi = jnp.logical_and(boundary, st["nseg"] > 0)
        acc = st["acc"]

        @pl.when(bf)
        def _store_first():
            for j in range(NV):
                febuf[pl.ds(j * 16, 16)] = acc[j]
            pf = st["prev"].astype(jnp.float32)
            fmeta[pl.ds(0, 16)] = (jnp.where(ii == 0, pf, zero_v)
                                   + jnp.where(ii == 1, st["cnt"], zero_v))

        @pl.when(bi)
        def _fold_interior():
            n2v = acc[0] * acc[0]
            for j in range(1, NV):
                n2v = n2v + acc[j] * acc[j]
            cntv = zero_v + st["cnt"]
            w = 1.0 / jnp.maximum(cntv, 1.0)
            intbuf[pl.ds(0, 16)] = intbuf[pl.ds(0, 16)] + n2v * w

        nseg = jnp.where(boundary, st["nseg"] + 1, st["nseg"])
        cnt = jnp.where(boundary, jnp.float32(0.0), st["cnt"]) + 1.0
        new_acc = []
        for j in range(NV):
            v = fbuf[b, r, pl.ds(j * 16, 16)]
            a = jnp.where(boundary, zero_v, acc[j])
            new_acc.append(a + v)
        return dict(prev=lbl, cnt=cnt, nseg=nseg, acc=new_acc)

    def row_pair(b, gr0, r, st):
        st = row_step(b, gr0, 2 * r, st)
        return row_step(b, gr0, 2 * r + 1, st)

    def chunk_pair(k, st):
        for b in range(2):
            ci = 2 * k + b
            wait(ci, b)
            st = lax.fori_loop(
                0, CHUNK // 2,
                functools.partial(row_pair, b, ci * CHUNK),
                st)

            @pl.when(ci + 2 < N_CHUNKS)
            def _():
                start(ci + 2, b)
        return st

    st = lax.fori_loop(0, N_CHUNKS // 2, chunk_pair, init)

    last_lbl = st["prev"].astype(jnp.float32)
    for j in range(NV):
        ebuf[0, pl.ds(j * 16, 16)] = febuf[pl.ds(j * 16, 16)]
        ebuf[1, pl.ds(j * 16, 16)] = st["acc"][j]

    mlast = (jnp.where(ii == 0, last_lbl, zero_v)
             + jnp.where(ii == 1, st["cnt"], zero_v))
    mbuf[0, pl.ds(0, 16)] = fmeta[pl.ds(0, 16)]
    mbuf[1, pl.ds(0, 16)] = mlast
    mbuf[2, pl.ds(0, 16)] = zero_v
    mbuf[3, pl.ds(0, 16)] = intbuf[pl.ds(0, 16)]

    pltpu.sync_copy(ebuf, edge_out.at[pl.ds(2 * wid, 2)])
    pltpu.sync_copy(mbuf.at[pl.ds(0, 2)], meta_out.at[pl.ds(2 * wid, 2)])
    pltpu.sync_copy(mbuf.at[pl.ds(2, 1)], meta_out.at[pl.ds(2 * N_WORKERS + wid, 1)])
    pltpu.sync_copy(mbuf.at[pl.ds(3, 1)],
                    meta_out.at[pl.ds(3 * N_WORKERS + wid, 1)])


_sc_pass = pl.kernel(
    _sc_body,
    out_type=[
        jax.ShapeDtypeStruct((2 * N_WORKERS, D), jnp.float32),
        jax.ShapeDtypeStruct((4 * N_WORKERS, 16), jnp.float32),
    ],
    mesh=plsc.VectorSubcoreMesh(core_axis_name="c", subcore_axis_name="s"),
    scratch_types=[
        pltpu.VMEM((ROWS_PER_W + 16,), jnp.int32),
        pltpu.VMEM((2, CHUNK, D), jnp.float32),
        pltpu.VMEM((2, D), jnp.float32),
        pltpu.VMEM((4, 16), jnp.float32),
        pltpu.VMEM((D,), jnp.float32),
        pltpu.VMEM((16,), jnp.float32),
        pltpu.VMEM((16,), jnp.float32),
        pltpu.SemaphoreType.DMA,
        pltpu.SemaphoreType.DMA,
    ],
)


SQ_BLK = 6400


def _tc_sumsq_body(x_ref, acc_ref):
    @pl.when(pl.program_id(0) == 0)
    def _():
        acc_ref[0, 0] = jnp.float32(0.0)
    x = x_ref[...]
    acc_ref[0, 0] += jnp.sum(x * x)


_tc_sumsq = pl.pallas_call(
    _tc_sumsq_body,
    grid=(N_ROWS // SQ_BLK,),
    in_specs=[pl.BlockSpec((SQ_BLK, D), lambda i: (i, 0))],
    out_shape=jax.ShapeDtypeStruct((1, 1), jnp.float32),
    out_specs=pl.BlockSpec(memory_space=pltpu.SMEM),
)


def _tc_combine_body(edge_ref, meta_ref, sq_ref, out_ref):
    ne = 2 * N_WORKERS
    e = edge_ref[...]
    m = meta_ref[...]
    lbl = m[:ne, 0:1]
    cnt = m[:ne, 1:2]
    sx = sq_ref[0, 0]
    interior = jnp.sum(m[ne + N_WORKERS:, :])
    lbl_row = lbl.reshape(1, ne)
    same = (lbl == lbl_row).astype(jnp.float32)
    gsum = jnp.dot(same, e, preferred_element_type=jnp.float32)
    gcnt = jnp.dot(same, cnt, preferred_element_type=jnp.float32)
    ir = lax.broadcasted_iota(jnp.int32, (ne, ne), 0)
    ic = lax.broadcasted_iota(jnp.int32, (ne, ne), 1)
    before = jnp.sum(same * (ic < ir).astype(jnp.float32), axis=1,
                     keepdims=True)
    first = (before == 0.0).astype(jnp.float32)
    gn2 = jnp.sum(gsum * gsum, axis=1, keepdims=True)
    contrib = jnp.sum(first * gn2 / jnp.maximum(gcnt, 1.0))
    out_ref[0, 0] = (sx - (interior + contrib)) / jnp.float32(N_ROWS * D)


_tc_combine = pl.pallas_call(
    _tc_combine_body,
    in_specs=[
        pl.BlockSpec(memory_space=pltpu.VMEM),
        pl.BlockSpec(memory_space=pltpu.VMEM),
        pl.BlockSpec(memory_space=pltpu.SMEM),
    ],
    out_shape=jax.ShapeDtypeStruct((1, 1), jnp.float32),
    out_specs=pl.BlockSpec(memory_space=pltpu.SMEM),
)


def kernel(s_feature, s_labels):
    labels = s_labels.astype(jnp.int32)
    sq = _tc_sumsq(s_feature)
    edge, meta = _sc_pass(s_feature, labels)
    out = _tc_combine(edge, meta, sq)
    return out[0, 0]

# --- scband reference (transcript-rebuilt; emitter-appended) ---
"""Pipeline reference for scband-center-loss-9388798509687 (READ-ONLY COPY).

The authoritative reference and input builder live on the scoring server;
editing this copy changes nothing except your own understanding.
"""

import jax, jax.numpy as jnp
import numpy as np

N_CLASS = 10000

def setup_inputs(seed: int = 0) -> dict:
    key = jax.random.key(seed)
    k1, k2 = jax.random.split(key)
    s_feature = jax.random.normal(k1, (320000, 128), dtype=jnp.float32)
    s_labels = jnp.sort(jax.random.randint(k2, (320000,), 0, N_CLASS, dtype=jnp.int64))
    return {"s_feature": s_feature, "s_labels": s_labels}

def reference(s_feature, s_labels):
    n, d = s_feature.shape
    # per-class counts via scatter-add of ones
    ones = jnp.ones((n,), dtype=jnp.float32)
    s_n_classes = jnp.zeros((N_CLASS,), dtype=jnp.float32).at[s_labels].add(ones)
    s_n_classes = jnp.maximum(s_n_classes, jnp.ones_like(s_n_classes))
    # per-class feature sums via scatter-add (segment sum)
    s_sum_feature = jnp.zeros((N_CLASS, d), dtype=jnp.float32).at[s_labels].add(s_feature)
    s_centroid = s_sum_feature / s_n_classes.reshape(N_CLASS, 1)
    # gather centroid for each sample (vectorized equivalent of the python loop)
    temp = jnp.take(s_centroid, s_labels, axis=0)
    intra_loss = jnp.mean((temp - s_feature) ** 2)
    return intra_loss

if __name__ == "__main__":
    import jax
    _d = setup_inputs()
    print(jax.jit(kernel)(*tuple(_d.values())))

</pallas_src>

<mosaic_0001>
#map = affine_map<(d0, d1) -> (0, 0)>
#map1 = affine_map<(d0, d1) -> (0)>
module attributes {stable_mosaic.version = 14 : i64} {
  func.func @_sc_body(%arg0: i32, %arg1: i32, %arg2: memref<320000x128xf32, #tpu.memory_space<hbm>>, %arg3: memref<320000xi32, #tpu.memory_space<hbm>>, %arg4: memref<64x128xf32, #tpu.memory_space<hbm>>, %arg5: memref<128x16xf32, #tpu.memory_space<hbm>>, %arg6: memref<10016xi32, #tpu.memory_space<vmem>>, %arg7: memref<2x200x128xf32, #tpu.memory_space<vmem>>, %arg8: memref<2x128xf32, #tpu.memory_space<vmem>>, %arg9: memref<4x16xf32, #tpu.memory_space<vmem>>, %arg10: memref<128xf32, #tpu.memory_space<vmem>>, %arg11: memref<16xf32, #tpu.memory_space<vmem>>, %arg12: memref<16xf32, #tpu.memory_space<vmem>>, %arg13: memref<!tpu.dma_semaphore, #tpu.memory_space<semaphore_mem>>, %arg14: memref<!tpu.dma_semaphore, #tpu.memory_space<semaphore_mem>>) attributes {dimension_semantics = [#tpu.dimension_semantics<core_parallel>, #tpu.dimension_semantics<subcore_parallel>], iteration_bounds = array<i64: 2, 16>, scalar_prefetch = 0 : i64, scratch_operands = 9 : i64, tpu.core_type = #tpu.core_type<sc_vector_subcore>, window_params = [{transform_indices = #map}, {transform_indices = #map1}, {transform_indices = #map}, {transform_indices = #map}]} {
    %mul3A = arith.constant 2 : i32
    %mul3A_0 = arith.muli %arg1, %mul3A : i32
    %add3A = arith.addi %mul3A_0, %arg0 : i32
    %mul3A_1 = arith.constant 10000 : i32
    %mul3A_2 = arith.muli %add3A, %mul3A_1 : i32
    "tpu.region"() ({
      %run_scoped3A = tpu.sem_alloc : memref<!tpu.dma_semaphore, #tpu.memory_space<semaphore_mem>>
      %dma_start3A_246 = arith.constant 0 : i32
      %dma_start3A_247 = tpu.memref_slice %arg6[%dma_start3A_246] : memref<10016xi32, #tpu.memory_space<vmem>> -> memref<10000xi32, #tpu.memory_space<vmem>>
      %dma_start3A_248 = tpu.memref_slice %arg3[%mul3A_2] : memref<320000xi32, #tpu.memory_space<hbm>> -> memref<10000xi32, #tpu.memory_space<hbm>>
      %dma_start3A_249 = arith.constant 0 : i32
      %dma_start3A_250 = tpu.memref_slice %arg6[%dma_start3A_249] : memref<10016xi32, #tpu.memory_space<vmem>> -> memref<10000xi32, #tpu.memory_space<vmem>>
      %dma_start3A_251 = tpu.memref_slice %arg3[%mul3A_2] : memref<320000xi32, #tpu.memory_space<hbm>> -> memref<10000xi32, #tpu.memory_space<hbm>>
      tpu.enqueue_dma source(%dma_start3A_251 : memref<10000xi32, #tpu.memory_space<hbm>>) target(%dma_start3A_250 : memref<10000xi32, #tpu.memory_space<vmem>>) target_semaphore(%run_scoped3A : memref<!tpu.dma_semaphore, #tpu.memory_space<semaphore_mem>>)
      %dma_wait3A = arith.constant 0 : i32
      %dma_wait3A_252 = tpu.memref_slice %arg6[%dma_wait3A] : memref<10016xi32, #tpu.memory_space<vmem>> -> memref<10000xi32, #tpu.memory_space<vmem>>
      %dma_wait3A_253 = tpu.memref_slice %arg3[%mul3A_2] : memref<320000xi32, #tpu.memory_space<hbm>> -> memref<10000xi32, #tpu.memory_space<hbm>>
      %dma_wait3A_254 = arith.constant 0 : i32
      %dma_wait3A_255 = tpu.memref_slice %arg6[%dma_wait3A_254] : memref<10016xi32, #tpu.memory_space<vmem>> -> memref<10000xi32, #tpu.memory_space<vmem>>
      %dma_wait3A_256 = tpu.memref_slice %arg3[%mul3A_2] : memref<320000xi32, #tpu.memory_space<hbm>> -> memref<10000xi32, #tpu.memory_space<hbm>>
      tpu.wait_dma2 semaphore(%run_scoped3A : memref<!tpu.dma_semaphore, #tpu.memory_space<semaphore_mem>>) src(%dma_wait3A_256 : memref<10000xi32, #tpu.memory_space<hbm>>) dst(%dma_wait3A_255 : memref<10000xi32, #tpu.memory_space<vmem>>)
      tpu.yield
    }) : () -> ()
    %add3A_3 = arith.constant 0 : i32
    %add3A_4 = arith.addi %mul3A_2, %add3A_3 : i32
    %dma_start3A = arith.constant 0 : i32
    %dma_start3A_5 = arith.constant 0 : i32
    %dma_start3A_6 = arith.constant 0 : i32
    %dma_start3A_7 = tpu.memref_slice %arg7[%dma_start3A, %dma_start3A_5, %dma_start3A_6] : memref<2x200x128xf32, #tpu.memory_space<vmem>> -> memref<1x200x128xf32, #tpu.memory_space<vmem>>
    %dma_start3A_8 = tpu.memref_squeeze %dma_start3A_7 : memref<1x200x128xf32, #tpu.memory_space<vmem>> -> memref<200x128xf32, #tpu.memory_space<vmem>>
    %dma_start3A_9 = arith.constant 0 : i32
    %dma_start3A_10 = tpu.memref_slice %arg2[%add3A_4, %dma_start3A_9] : memref<320000x128xf32, #tpu.memory_space<hbm>> -> memref<200x128xf32, #tpu.memory_space<hbm>>
    %dma_start3A_11 = arith.constant 0 : i32
    %dma_start3A_12 = arith.constant 0 : i32
    %dma_start3A_13 = tpu.memref_slice %arg7[%dma_start3A, %dma_start3A_11, %dma_start3A_12] : memref<2x200x128xf32, #tpu.memory_space<vmem>> -> memref<1x200x128xf32, #tpu.memory_space<vmem>>
    %dma_start3A_14 = tpu.memref_squeeze %dma_start3A_13 : memref<1x200x128xf32, #tpu.memory_space<vmem>> -> memref<200x128xf32, #tpu.memory_space<vmem>>
    %dma_start3A_15 = arith.constant 0 : i32
    %dma_start3A_16 = tpu.memref_slice %arg2[%add3A_4, %dma_start3A_15] : memref<320000x128xf32, #tpu.memory_space<hbm>> -> memref<200x128xf32, #tpu.memory_space<hbm>>
    tpu.enqueue_dma source(%dma_start3A_16 : memref<200x128xf32, #tpu.memory_space<hbm>>) target(%dma_start3A_14 : memref<200x128xf32, #tpu.memory_space<vmem>>) target_semaphore(%arg13 : memref<!tpu.dma_semaphore, #tpu.memory_space<semaphore_mem>>)
    %add3A_17 = arith.constant 200 : i32
    %add3A_18 = arith.addi %mul3A_2, %add3A_17 : i32
    %dma_start3A_19 = arith.constant 1 : i32
    %dma_start3A_20 = arith.constant 0 : i32
    %dma_start3A_21 = arith.constant 0 : i32
    %dma_start3A_22 = tpu.memref_slice %arg7[%dma_start3A_19, %dma_start3A_20, %dma_start3A_21] : memref<2x200x128xf32, #tpu.memory_space<vmem>> -> memref<1x200x128xf32, #tpu.memory_space<vmem>>
    %dma_start3A_23 = tpu.memref_squeeze %dma_start3A_22 : memref<1x200x128xf32, #tpu.memory_space<vmem>> -> memref<200x128xf32, #tpu.memory_space<vmem>>
    %dma_start3A_24 = arith.constant 0 : i32
    %dma_start3A_25 = tpu.memref_slice %arg2[%add3A_18, %dma_start3A_24] : memref<320000x128xf32, #tpu.memory_space<hbm>> -> memref<200x128xf32, #tpu.memory_space<hbm>>
    %dma_start3A_26 = arith.constant 0 : i32
    %dma_start3A_27 = arith.constant 0 : i32
    %dma_start3A_28 = tpu.memref_slice %arg7[%dma_start3A_19, %dma_start3A_26, %dma_start3A_27] : memref<2x200x128xf32, #tpu.memory_space<vmem>> -> memref<1x200x128xf32, #tpu.memory_space<vmem>>
    %dma_start3A_29 = tpu.memref_squeeze %dma_start3A_28 : memref<1x200x128xf32, #tpu.memory_space<vmem>> -> memref<200x128xf32, #tpu.memory_space<vmem>>
    %dma_start3A_30 = arith.constant 0 : i32
    %dma_start3A_31 = tpu.memref_slice %arg2[%add3A_18, %dma_start3A_30] : memref<320000x128xf32, #tpu.memory_space<hbm>> -> memref<200x128xf32, #tpu.memory_space<hbm>>
    tpu.enqueue_dma source(%dma_start3A_31 : memref<200x128xf32, #tpu.memory_space<hbm>>) target(%dma_start3A_29 : memref<200x128xf32, #tpu.memory_space<vmem>>) target_semaphore(%arg14 : memref<!tpu.dma_semaphore, #tpu.memory_space<semaphore_mem>>)
    %broadcast_in_dim3A = arith.constant 0.000000e+00 : f32
    %broadcast_in_dim3A_32 = vector.broadcast %broadcast_in_dim3A : f32 to vector<16xf32>
    %iota3A = tpu.iota {dimensions = array<i32: 0>} : vector<16xi32>
    %swap3A = arith.constant 0 : index
    %swap3A_33 = tpu.vector_load %arg10[%swap3A] {strides = array<i32>} : memref<128xf32, #tpu.memory_space<vmem>>, vector<16xf32>,
    %swap3A_34 = vector.shape_cast %swap3A_33 : vector<16xf32> to vector<16xf32>
    %swap3A_35 = vector.shape_cast %broadcast_in_dim3A_32 : vector<16xf32> to vector<16xf32>
    tpu.vector_store %arg10[%swap3A], %swap3A_35 {strides = array<i32>} : memref<128xf32, #tpu.memory_space<vmem>>, vector<16xf32>,
    %swap3A_36 = arith.constant 16 : index
    %swap3A_37 = tpu.vector_load %arg10[%swap3A_36] {strides = array<i32>} : memref<128xf32, #tpu.memory_space<vmem>>, vector<16xf32>,
    %swap3A_38 = vector.shape_cast %swap3A_37 : vector<16xf32> to vector<16xf32>
    %swap3A_39 = vector.shape_cast %broadcast_in_dim3A_32 : vector<16xf32> to vector<16xf32>
    tpu.vector_store %arg10[%swap3A_36], %swap3A_39 {strides = array<i32>} : memref<128xf32, #tpu.memory_space<vmem>>, vector<16xf32>,
    %swap3A_40 = arith.constant 32 : index
    %swap3A_41 = tpu.vector_load %arg10[%swap3A_40] {strides = array<i32>} : memref<128xf32, #tpu.memory_space<vmem>>, vector<16xf32>,
    %swap3A_42 = vector.shape_cast %swap3A_41 : vector<16xf32> to vector<16xf32>
    %swap3A_43 = vector.shape_cast %broadcast_in_dim3A_32 : vector<16xf32> to vector<16xf32>
    tpu.vector_store %arg10[%swap3A_40], %swap3A_43 {strides = array<i32>} : memref<128xf32, #tpu.memory_space<vmem>>, vector<16xf32>,
    %swap3A_44 = arith.constant 48 : index
    %swap3A_45 = tpu.vector_load %arg10[%swap3A_44] {strides = array<i32>} : memref<128xf32, #tpu.memory_space<vmem>>, vector<16xf32>,
    %swap3A_46 = vector.shape_cast %swap3A_45 : vector<16xf32> to vector<16xf32>
    %swap3A_47 = vector.shape_cast %broadcast_in_dim3A_32 : vector<16xf32> to vector<16xf32>
    tpu.vector_store %arg10[%swap3A_44], %swap3A_47 {strides = array<i32>} : memref<128xf32, #tpu.memory_space<vmem>>, vector<16xf32>,
    %swap3A_48 = arith.constant 64 : index
    %swap3A_49 = tpu.vector_load %arg10[%swap3A_48] {strides = array<i32>} : memref<128xf32, #tpu.memory_space<vmem>>, vector<16xf32>,
    %swap3A_50 = vector.shape_cast %swap3A_49 : vector<16xf32> to vector<16xf32>
    %swap3A_51 = vector.shape_cast %broadcast_in_dim3A_32 : vector<16xf32> to vector<16xf32>
    tpu.vector_store %arg10[%swap3A_48], %swap3A_51 {strides = array<i32>} : memref<128xf32, #tpu.memory_space<vmem>>, vector<16xf32>,
    %swap3A_52 = arith.constant 80 : index
    %swap3A_53 = tpu.vector_load %arg10[%swap3A_52] {strides = array<i32>} : memref<128xf32, #tpu.memory_space<vmem>>, vector<16xf32>,
    %swap3A_54 = vector.shape_cast %swap3A_53 : vector<16xf32> to vector<16xf32>
    %swap3A_55 = vector.shape_cast %broadcast_in_dim3A_32 : vector<16xf32> to vector<16xf32>
    tpu.vector_store %arg10[%swap3A_52], %swap3A_55 {strides = array<i32>} : memref<128xf32, #tpu.memory_space<vmem>>, vector<16xf32>,
    %swap3A_56 = arith.constant 96 : index
    %swap3A_57 = tpu.vector_load %arg10[%swap3A_56] {strides = array<i32>} : memref<128xf32, #tpu.memory_space<vmem>>, vector<16xf32>,
    %swap3A_58 = vector.shape_cast %swap3A_57 : vector<16xf32> to vector<16xf32>
    %swap3A_59 = vector.shape_cast %broadcast_in_dim3A_32 : vector<16xf32> to vector<16xf32>
    tpu.vector_store %arg10[%swap3A_56], %swap3A_59 {strides = array<i32>} : memref<128xf32, #tpu.memory_space<vmem>>, vector<16xf32>,
    %swap3A_60 = arith.constant 112 : index
    %swap3A_61 = tpu.vector_load %arg10[%swap3A_60] {strides = array<i32>} : memref<128xf32, #tpu.memory_space<vmem>>, vector<16xf32>,
    %swap3A_62 = vector.shape_cast %swap3A_61 : vector<16xf32> to vector<16xf32>
    %swap3A_63 = vector.shape_cast %broadcast_in_dim3A_32 : vector<16xf32> to vector<16xf32>
    tpu.vector_store %arg10[%swap3A_60], %swap3A_63 {strides = array<i32>} : memref<128xf32, #tpu.memory_space<vmem>>, vector<16xf32>,
    %swap3A_64 = arith.constant 0 : index
    %swap3A_65 = tpu.vector_load %arg11[%swap3A_64] {strides = array<i32>} : memref<16xf32, #tpu.memory_space<vmem>>, vector<16xf32>,
    %swap3A_66 = vector.shape_cast %swap3A_65 : vector<16xf32> to vector<16xf32>
    %swap3A_67 = vector.shape_cast %broadcast_in_dim3A_32 : vector<16xf32> to vector<16xf32>
    tpu.vector_store %arg11[%swap3A_64], %swap3A_67 {strides = array<i32>} : memref<16xf32, #tpu.memory_space<vmem>>, vector<16xf32>,
    %swap3A_68 = arith.constant 0 : index
    %swap3A_69 = tpu.vector_load %arg12[%swap3A_68] {strides = array<i32>} : memref<16xf32, #tpu.memory_space<vmem>>, vector<16xf32>,
    %swap3A_70 = vector.shape_cast %swap3A_69 : vector<16xf32> to vector<16xf32>
    %swap3A_71 = vector.shape_cast %broadcast_in_dim3A_32 : vector<16xf32> to vector<16xf32>
    tpu.vector_store %arg12[%swap3A_68], %swap3A_71 {strides = array<i32>} : memref<16xf32, #tpu.memory_space<vmem>>, vector<16xf32>,
    %scan3A = arith.constant 0.000000e+00 : f32
    %scan3A_72 = arith.constant 0 : i32
    %scan3A_73 = arith.constant -1 : i32
    %scan3A_74 = arith.constant 0 : i32
    %scan3A_75 = arith.constant 25 : i32
    %scan3A_76 = arith.addi %scan3A_74, %scan3A_75 : i32
    %scan3A_77 = arith.constant 1 : i32
    %scan3A_78:11 = scf.for %scan3A_246 = %scan3A_74 to %scan3A_76 step %scan3A_77 iter_args(%scan3A_247 = %broadcast_in_dim3A_32, %scan3A_248 = %broadcast_in_dim3A_32, %scan3A_249 = %broadcast_in_dim3A_32, %scan3A_250 = %broadcast_in_dim3A_32, %scan3A_251 = %broadcast_in_dim3A_32, %scan3A_252 = %broadcast_in_dim3A_32, %scan3A_253 = %broadcast_in_dim3A_32, %scan3A_254 = %broadcast_in_dim3A_32, %scan3A_255 = %scan3A, %scan3A_256 = %scan3A_72, %scan3A_257 = %scan3A_73) -> (vector<16xf32>, vector<16xf32>, vector<16xf32>, vector<16xf32>, vector<16xf32>, vector<16xf32>, vector<16xf32>, vector<16xf32>, f32, i32, i32)  : i32 {
      %mul3A_258 = arith.constant 2 : i32
      %mul3A_259 = arith.muli %mul3A_258, %scan3A_246 : i32
      %add3A_260 = arith.constant 0 : i32
      %add3A_261 = arith.addi %mul3A_259, %add3A_260 : i32
      %mul3A_262 = arith.constant 200 : i32
      %mul3A_263 = arith.muli %add3A_261, %mul3A_262 : i32
      %add3A_264 = arith.addi %mul3A_2, %mul3A_263 : i32
      %dma_wait3A = arith.constant 0 : i32
      %dma_wait3A_265 = arith.constant 0 : i32
      %dma_wait3A_266 = arith.constant 0 : i32
      %dma_wait3A_267 = tpu.memref_slice %arg7[%dma_wait3A, %dma_wait3A_265, %dma_wait3A_266] : memref<2x200x128xf32, #tpu.memory_space<vmem>> -> memref<1x200x128xf32, #tpu.memory_space<vmem>>
      %dma_wait3A_268 = tpu.memref_squeeze %dma_wait3A_267 : memref<1x200x128xf32, #tpu.memory_space<vmem>> -> memref<200x128xf32, #tpu.memory_space<vmem>>
      %dma_wait3A_269 = arith.constant 0 : i32
      %dma_wait3A_270 = tpu.memref_slice %arg2[%add3A_264, %dma_wait3A_269] : memref<320000x128xf32, #tpu.memory_space<hbm>> -> memref<200x128xf32, #tpu.memory_space<hbm>>
      %dma_wait3A_271 = arith.constant 0 : i32
      %dma_wait3A_272 = arith.constant 0 : i32
      %dma_wait3A_273 = tpu.memref_slice %arg7[%dma_wait3A, %dma_wait3A_271, %dma_wait3A_272] : memref<2x200x128xf32, #tpu.memory_space<vmem>> -> memref<1x200x128xf32, #tpu.memory_space<vmem>>
      %dma_wait3A_274 = tpu.memref_squeeze %dma_wait3A_273 : memref<1x200x128xf32, #tpu.memory_space<vmem>> -> memref<200x128xf32, #tpu.memory_space<vmem>>
      %dma_wait3A_275 = arith.constant 0 : i32
      %dma_wait3A_276 = tpu.memref_slice %arg2[%add3A_264, %dma_wait3A_275] : memref<320000x128xf32, #tpu.memory_space<hbm>> -> memref<200x128xf32, #tpu.memory_space<hbm>>
      tpu.wait_dma2 semaphore(%arg13 : memref<!tpu.dma_semaphore, #tpu.memory_space<semaphore_mem>>) src(%dma_wait3A_276 : memref<200x128xf32, #tpu.memory_space<hbm>>) dst(%dma_wait3A_274 : memref<200x128xf32, #tpu.memory_space<vmem>>)
      %mul3A_277 = arith.constant 200 : i32
      %mul3A_278 = arith.muli %add3A_261, %mul3A_277 : i32
      %scan3A_279 = arith.constant 0 : i32
      %scan3A_280 = arith.constant 100 : i32
      %scan3A_281 = arith.addi %scan3A_279, %scan3A_280 : i32
      %scan3A_282 = arith.constant 1 : i32
      %scan3A_283:11 = scf.for %scan3A_325 = %scan3A_279 to %scan3A_281 step %scan3A_282 iter_args(%scan3A_326 = %scan3A_247, %scan3A_327 = %scan3A_248, %scan3A_328 = %scan3A_249, %scan3A_329 = %scan3A_250, %scan3A_330 = %scan3A_251, %scan3A_331 = %scan3A_252, %scan3A_332 = %scan3A_253, %scan3A_333 = %scan3A_254, %scan3A_334 = %scan3A_255, %scan3A_335 = %scan3A_256, %scan3A_336 = %scan3A_257) -> (vector<16xf32>, vector<16xf32>, vector<16xf32>, vector<16xf32>, vector<16xf32>, vector<16xf32>, vector<16xf32>, vector<16xf32>, f32, i32, i32)  : i32 {
        %mul3A_337 = arith.constant 2 : i32
        %mul3A_338 = arith.muli %mul3A_337, %scan3A_325 : i32
        %add3A_339 = arith.addi %mul3A_278, %mul3A_338 : i32
        %get3A_340 = arith.index_cast %add3A_339 : i32 to index
        %get3A_341 = tpu.vector_load %arg6[%get3A_340] {strides = array<i32>} : memref<10016xi32, #tpu.memory_space<vmem>>, vector<16xi32>,
        %get3A_342 = vector.shape_cast %get3A_341 : vector<16xi32> to vector<16xi32>
        %slice3A = vector.extract_strided_slice %get3A_342 {offsets = [0], sizes = [1], strides = [1]} : vector<16xi32> to vector<1xi32>
        %squeeze3A = vector.extract %slice3A[0] : i32 from vector<1xi32>
        %gt3A = arith.constant 0 : i32
        %gt3A_343 = arith.cmpi sgt, %add3A_339, %gt3A : i32
        %ne3A = arith.cmpi ne, %squeeze3A, %scan3A_336 : i32
        %and3A = arith.andi %gt3A_343, %ne3A : i1
        %eq3A_344 = arith.constant 0 : i32
        %eq3A_345 = arith.cmpi eq, %scan3A_335, %eq3A_344 : i32
        %and3A_346 = arith.andi %and3A, %eq3A_345 : i1
        %gt3A_347 = arith.constant 0 : i32
        %gt3A_348 = arith.cmpi sgt, %scan3A_335, %gt3A_347 : i32
        %and3A_349 = arith.andi %and3A, %gt3A_348 : i1
        %convert_element_type3A_350 = arith.extui %and3A_346 : i1 to i32
        %cond3A_351 = arith.constant 0 : i32
        %cond3A_352 = arith.cmpi ne, %convert_element_type3A_350, %cond3A_351 : i32
        scf.if %cond3A_352 {
          %swap3A_523 = arith.constant 0 : index
          %swap3A_524 = tpu.vector_load %arg10[%swap3A_523] {strides = array<i32>} : memref<128xf32, #tpu.memory_space<vmem>>, vector<16xf32>,
          %swap3A_525 = vector.shape_cast %swap3A_524 : vector<16xf32> to vector<16xf32>
          %swap3A_526 = vector.shape_cast %scan3A_326 : vector<16xf32> to vector<16xf32>
          tpu.vector_store %arg10[%swap3A_523], %swap3A_526 {strides = array<i32>} : memref<128xf32, #tpu.memory_space<vmem>>, vector<16xf32>,
          %swap3A_527 = arith.constant 16 : index
          %swap3A_528 = tpu.vector_load %arg10[%swap3A_527] {strides = array<i32>} : memref<128xf32, #tpu.memory_space<vmem>>, vector<16xf32>,
          %swap3A_529 = vector.shape_cast %swap3A_528 : vector<16xf32> to vector<16xf32>
          %swap3A_530 = vector.shape_cast %scan3A_327 : vector<16xf32> to vector<16xf32>
          tpu.vector_store %arg10[%swap3A_527], %swap3A_530 {strides = array<i32>} : memref<128xf32, #tpu.memory_space<vmem>>, vector<16xf32>,
          %swap3A_531 = arith.constant 32 : index
          %swap3A_532 = tpu.vector_load %arg10[%swap3A_531] {strides = array<i32>} : memref<128xf32, #tpu.memory_space<vmem>>, vector<16xf32>,
          %swap3A_533 = vector.shape_cast %swap3A_532 : vector<16xf32> to vector<16xf32>
          %swap3A_534 = vector.shape_cast %scan3A_328 : vector<16xf32> to vector<16xf32>
          tpu.vector_store %arg10[%swap3A_531], %swap3A_534 {strides = array<i32>} : memref<128xf32, #tpu.memory_space<vmem>>, vector<16xf32>,
          %swap3A_535 = arith.constant 48 : index
          %swap3A_536 = tpu.vector_load %arg10[%swap3A_535] {strides = array<i32>} : memref<128xf32, #tpu.memory_space<vmem>>, vector<16xf32>,
          %swap3A_537 = vector.shape_cast %swap3A_536 : vector<16xf32> to vector<16xf32>
          %swap3A_538 = vector.shape_cast %scan3A_329 : vector<16xf32> to vector<16xf32>
          tpu.vector_store %arg10[%swap3A_535], %swap3A_538 {strides = array<i32>} : memref<128xf32, #tpu.memory_space<vmem>>, vector<16xf32>,
          %swap3A_539 = arith.constant 64 : index
          %swap3A_540 = tpu.vector_load %arg10[%swap3A_539] {strides = array<i32>} : memref<128xf32, #tpu.memory_space<vmem>>, vector<16xf32>,
          %swap3A_541 = vector.shape_cast %swap3A_540 : vector<16xf32> to vector<16xf32>
          %swap3A_542 = vector.shape_cast %scan3A_330 : vector<16xf32> to vector<16xf32>
          tpu.vector_store %arg10[%swap3A_539], %swap3A_542 {strides = array<i32>} : memref<128xf32, #tpu.memory_space<vmem>>, vector<16xf32>,
          %swap3A_543 = arith.constant 80 : index
          %swap3A_544 = tpu.vector_load %arg10[%swap3A_543] {strides = array<i32>} : memref<128xf32, #tpu.memory_space<vmem>>, vector<16xf32>,
          %swap3A_545 = vector.shape_cast %swap3A_544 : vector<16xf32> to vector<16xf32>
          %swap3A_546 = vector.shape_cast %scan3A_331 : vector<16xf32> to vector<16xf32>
          tpu.vector_store %arg10[%swap3A_543], %swap3A_546 {strides = array<i32>} : memref<128xf32, #tpu.memory_space<vmem>>, vector<16xf32>,
          %swap3A_547 = arith.constant 96 : index
          %swap3A_548 = tpu.vector_load %arg10[%swap3A_547] {strides = array<i32>} : memref<128xf32, #tpu.memory_space<vmem>>, vector<16xf32>,
          %swap3A_549 = vector.shape_cast %swap3A_548 : vector<16xf32> to vector<16xf32>
          %swap3A_550 = vector.shape_cast %scan3A_332 : vector<16xf32> to vector<16xf32>
          tpu.vector_store %arg10[%swap3A_547], %swap3A_550 {strides = array<i32>} : memref<128xf32, #tpu.memory_space<vmem>>, vector<16xf32>,
          %swap3A_551 = arith.constant 112 : index
          %swap3A_552 = tpu.vector_load %arg10[%swap3A_551] {strides = array<i32>} : memref<128xf32, #tpu.memory_space<vmem>>, vector<16xf32>,
          %swap3A_553 = vector.shape_cast %swap3A_552 : vector<16xf32> to vector<16xf32>
          %swap3A_554 = vector.shape_cast %scan3A_333 : vector<16xf32> to vector<16xf32>
          tpu.vector_store %arg10[%swap3A_551], %swap3A_554 {strides = array<i32>} : memref<128xf32, #tpu.memory_space<vmem>>, vector<16xf32>,
          %convert_element_type3A_555 = arith.sitofp %scan3A_336 : i32 to f32
          %eq3A_556 = arith.constant 0 : i32
          %eq3A_557 = vector.broadcast %eq3A_556 : i32 to vector<16xi32>
          %eq3A_558 = arith.cmpi eq, %iota3A, %eq3A_557 : vector<16xi32>
          %broadcast_in_dim3A_559 = vector.broadcast %convert_element_type3A_555 : f32 to vector<16xf32>
          %select_n3A_560 = arith.select %eq3A_558, %broadcast_in_dim3A_559, %broadcast_in_dim3A_32 : vector<16xi1>, vector<16xf32>
          %eq3A_561 = arith.constant 1 : i32
          %eq3A_562 = vector.broadcast %eq3A_561 : i32 to vector<16xi32>
          %eq3A_563 = arith.cmpi eq, %iota3A, %eq3A_562 : vector<16xi32>
          %broadcast_in_dim3A_564 = vector.broadcast %scan3A_334 : f32 to vector<16xf32>
          %select_n3A_565 = arith.select %eq3A_563, %broadcast_in_dim3A_564, %broadcast_in_dim3A_32 : vector<16xi1>, vector<16xf32>
          %add3A_566 = arith.addf %select_n3A_560, %select_n3A_565 : vector<16xf32>
          %swap3A_567 = arith.constant 0 : index
          %swap3A_568 = tpu.vector_load %arg11[%swap3A_567] {strides = array<i32>} : memref<16xf32, #tpu.memory_space<vmem>>, vector<16xf32>,
          %swap3A_569 = vector.shape_cast %swap3A_568 : vector<16xf32> to vector<16xf32>
          %swap3A_570 = vector.shape_cast %add3A_566 : vector<16xf32> to vector<16xf32>
          tpu.vector_store %arg11[%swap3A_567], %swap3A_570 {strides = array<i32>} : memref<16xf32, #tpu.memory_space<vmem>>, vector<16xf32>,
        } else {
        }
        %convert_element_type3A_353 = arith.extui %and3A_349 : i1 to i32
        %cond3A_354 = arith.constant 0 : i32
        %cond3A_355 = arith.cmpi ne, %convert_element_type3A_353, %cond3A_354 : i32
        scf.if %cond3A_355 {
          %mul3A_523 = arith.mulf %scan3A_326, %scan3A_326 : vector<16xf32>
          %mul3A_524 = arith.mulf %scan3A_327, %scan3A_327 : vector<16xf32>
          %add3A_525 = arith.addf %mul3A_523, %mul3A_524 : vector<16xf32>
          %mul3A_526 = arith.mulf %scan3A_328, %scan3A_328 : vector<16xf32>
          %add3A_527 = arith.addf %add3A_525, %mul3A_526 : vector<16xf32>
          %mul3A_528 = arith.mulf %scan3A_329, %scan3A_329 : vector<16xf32>
          %add3A_529 = arith.addf %add3A_527, %mul3A_528 : vector<16xf32>
          %mul3A_530 = arith.mulf %scan3A_330, %scan3A_330 : vector<16xf32>
          %add3A_531 = arith.addf %add3A_529, %mul3A_530 : vector<16xf32>
          %mul3A_532 = arith.mulf %scan3A_331, %scan3A_331 : vector<16xf32>
          %add3A_533 = arith.addf %add3A_531, %mul3A_532 : vector<16xf32>
          %mul3A_534 = arith.mulf %scan3A_332, %scan3A_332 : vector<16xf32>
          %add3A_535 = arith.addf %add3A_533, %mul3A_534 : vector<16xf32>
          %mul3A_536 = arith.mulf %scan3A_333, %scan3A_333 : vector<16xf32>
          %add3A_537 = arith.addf %add3A_535, %mul3A_536 : vector<16xf32>
          %add3A_538 = vector.broadcast %scan3A_334 : f32 to vector<16xf32>
          %add3A_539 = arith.addf %broadcast_in_dim3A_32, %add3A_538 : vector<16xf32>
          %max3A = arith.constant 1.000000e+00 : f32
          %max3A_540 = vector.broadcast %max3A : f32 to vector<16xf32>
          %max3A_541 = arith.maximumf %add3A_539, %max3A_540 : vector<16xf32>
          %div3A = arith.constant 1.000000e+00 : f32
          %div3A_542 = vector.broadcast %div3A : f32 to vector<16xf32>
          %div3A_543 = arith.divf %div3A_542, %max3A_541 : vector<16xf32>
          %get3A_544 = arith.constant 0 : index
          %get3A_545 = tpu.vector_load %arg12[%get3A_544] {strides = array<i32>} : memref<16xf32, #tpu.memory_space<vmem>>, vector<16xf32>,
          %get3A_546 = vector.shape_cast %get3A_545 : vector<16xf32> to vector<16xf32>
          %mul3A_547 = arith.mulf %add3A_537, %div3A_543 : vector<16xf32>
          %add3A_548 = arith.addf %get3A_546, %mul3A_547 : vector<16xf32>
          %swap3A_549 = arith.constant 0 : index
          %swap3A_550 = tpu.vector_load %arg12[%swap3A_549] {strides = array<i32>} : memref<16xf32, #tpu.memory_space<vmem>>, vector<16xf32>,
          %swap3A_551 = vector.shape_cast %swap3A_550 : vector<16xf32> to vector<16xf32>
          %swap3A_552 = vector.shape_cast %add3A_548 : vector<16xf32> to vector<16xf32>
          tpu.vector_store %arg12[%swap3A_549], %swap3A_552 {strides = array<i32>} : memref<16xf32, #tpu.memory_space<vmem>>, vector<16xf32>,
        } else {
        }
        %add3A_356 = arith.constant 1 : i32
        %add3A_357 = arith.addi %scan3A_335, %add3A_356 : i32
        %select_n3A_358 = arith.select %and3A, %add3A_357, %scan3A_335 : i32
        %jit3A = arith.constant 0.000000e+00 : f32
        %select_n3A_359 = arith.select %and3A, %jit3A, %scan3A_334 : f32
        %add3A_360 = arith.constant 1.000000e+00 : f32
        %add3A_361 = arith.addf %select_n3A_359, %add3A_360 : f32
        %get3A_362 = arith.constant 0 : i32
        %get3A_363 = arith.index_cast %get3A_362 : i32 to index
        %get3A_364 = arith.index_cast %mul3A_338 : i32 to index
        %get3A_365 = arith.constant 0 : index
        %get3A_366 = tpu.vector_load %arg7[%get3A_363, %get3A_364, %get3A_365] {strides = array<i32>} : memref<2x200x128xf32, #tpu.memory_space<vmem>>, vector<1x1x16xf32>,
        %get3A_367 = vector.shape_cast %get3A_366 : vector<1x1x16xf32> to vector<16xf32>
        %select_n3A_368 = arith.select %and3A, %broadcast_in_dim3A_32, %scan3A_326 : vector<16xf32>
        %add3A_369 = arith.addf %select_n3A_368, %get3A_367 : vector<16xf32>
        %get3A_370 = arith.constant 0 : i32
        %get3A_371 = arith.index_cast %get3A_370 : i32 to index
        %get3A_372 = arith.index_cast %mul3A_338 : i32 to index
        %get3A_373 = arith.constant 16 : index
        %get3A_374 = tpu.vector_load %arg7[%get3A_371, %get3A_372, %get3A_373] {strides = array<i32>} : memref<2x200x128xf32, #tpu.memory_space<vmem>>, vector<1x1x16xf32>,
        %get3A_375 = vector.shape_cast %get3A_374 : vector<1x1x16xf32> to vector<16xf32>
        %select_n3A_376 = arith.select %and3A, %broadcast_in_dim3A_32, %scan3A_327 : vector<16xf32>
        %add3A_377 = arith.addf %select_n3A_376, %get3A_375 : vector<16xf32>
        %get3A_378 = arith.constant 0 : i32
        %get3A_379 = arith.index_cast %get3A_378 : i32 to index
        %get3A_380 = arith.index_cast %mul3A_338 : i32 to index
        %get3A_381 = arith.constant 32 : index
        %get3A_382 = tpu.vector_load %arg7[%get3A_379, %get3A_380, %get3A_381] {strides = array<i32>} : memref<2x200x128xf32, #tpu.memory_space<vmem>>, vector<1x1x16xf32>,
        %get3A_383 = vector.shape_cast %get3A_382 : vector<1x1x16xf32> to vector<16xf32>
        %select_n3A_384 = arith.select %and3A, %broadcast_in_dim3A_32, %scan3A_328 : vector<16xf32>
        %add3A_385 = arith.addf %select_n3A_384, %get3A_383 : vector<16xf32>
        %get3A_386 = arith.constant 0 : i32
        %get3A_387 = arith.index_cast %get3A_386 : i32 to index
        %get3A_388 = arith.index_cast %mul3A_338 : i32 to index
        %get3A_389 = arith.constant 48 : index
        %get3A_390 = tpu.vector_load %arg7[%get3A_387, %get3A_388, %get3A_389] {strides = array<i32>} : memref<2x200x128xf32, #tpu.memory_space<vmem>>, vector<1x1x16xf32>,
        %get3A_391 = vector.shape_cast %get3A_390 : vector<1x1x16xf32> to vector<16xf32>
        %select_n3A_392 = arith.select %and3A, %broadcast_in_dim3A_32, %scan3A_329 : vector<16xf32>
        %add3A_393 = arith.addf %select_n3A_392, %get3A_391 : vector<16xf32>
        %get3A_394 = arith.constant 0 : i32
        %get3A_395 = arith.index_cast %get3A_394 : i32 to index
        %get3A_396 = arith.index_cast %mul3A_338 : i32 to index
        %get3A_397 = arith.constant 64 : index
        %get3A_398 = tpu.vector_load %arg7[%get3A_395, %get3A_396, %get3A_397] {strides = array<i32>} : memref<2x200x128xf32, #tpu.memory_space<vmem>>, vector<1x1x16xf32>,
        %get3A_399 = vector.shape_cast %get3A_398 : vector<1x1x16xf32> to vector<16xf32>
        %select_n3A_400 = arith.select %and3A, %broadcast_in_dim3A_32, %scan3A_330 : vector<16xf32>
        %add3A_401 = arith.addf %select_n3A_400, %get3A_399 : vector<16xf32>
        %get3A_402 = arith.constant 0 : i32
        %get3A_403 = arith.index_cast %get3A_402 : i32 to index
        %get3A_404 = arith.index_cast %mul3A_338 : i32 to index
        %get3A_405 = arith.constant 80 : index
        %get3A_406 = tpu.vector_load %arg7[%get3A_403, %get3A_404, %get3A_405] {strides = array<i32>} : memref<2x200x128xf32, #tpu.memory_space<vmem>>, vector<1x1x16xf32>,
        %get3A_407 = vector.shape_cast %get3A_406 : vector<1x1x16xf32> to vector<16xf32>
        %select_n3A_408 = arith.select %and3A, %broadcast_in_dim3A_32, %scan3A_331 : vector<16xf32>
        %add3A_409 = arith.addf %select_n3A_408, %get3A_407 : vector<16xf32>
        %get3A_410 = arith.constant 0 : i32
        %get3A_411 = arith.index_cast %get3A_410 : i32 to index
        %get3A_412 = arith.index_cast %mul3A_338 : i32 to index
        %get3A_413 = arith.constant 96 : index
        %get3A_414 = tpu.vector_load %arg7[%get3A_411, %get3A_412, %get3A_413] {strides = array<i32>} : memref<2x200x128xf32, #tpu.memory_space<vmem>>, vector<1x1x16xf32>,
        %get3A_415 = vector.shape_cast %get3A_414 : vector<1x1x16xf32> to vector<16xf32>
        %select_n3A_416 = arith.select %and3A, %broadcast_in_dim3A_32, %scan3A_332 : vector<16xf32>
        %add3A_417 = arith.addf %select_n3A_416, %get3A_415 : vector<16xf32>
        %get3A_418 = arith.constant 0 : i32
        %get3A_419 = arith.index_cast %get3A_418 : i32 to index
        %get3A_420 = arith.index_cast %mul3A_338 : i32 to index
        %get3A_421 = arith.constant 112 : index
        %get3A_422 = tpu.vector_load %arg7[%get3A_419, %get3A_420, %get3A_421] {strides = array<i32>} : memref<2x200x128xf32, #tpu.memory_space<vmem>>, vector<1x1x16xf32>,
        %get3A_423 = vector.shape_cast %get3A_422 : vector<1x1x16xf32> to vector<16xf32>
        %select_n3A_424 = arith.select %and3A, %broadcast_in_dim3A_32, %scan3A_333 : vector<16xf32>
        %add3A_425 = arith.addf %select_n3A_424, %get3A_423 : vector<16xf32>
        %mul3A_426 = arith.constant 2 : i32
        %mul3A_427 = arith.muli %mul3A_426, %scan3A_325 : i32
        %add3A_428 = arith.constant 1 : i32
        %add3A_429 = arith.addi %mul3A_427, %add3A_428 : i32
        %add3A_430 = arith.addi %mul3A_278, %add3A_429 : i32
        %get3A_431 = arith.index_cast %add3A_430 : i32 to index
        %get3A_432 = tpu.vector_load %arg6[%get3A_431] {strides = array<i32>} : memref<10016xi32, #tpu.memory_space<vmem>>, vector<16xi32>,
        %get3A_433 = vector.shape_cast %get3A_432 : vector<16xi32> to vector<16xi32>
        %slice3A_434 = vector.extract_strided_slice %get3A_433 {offsets = [0], sizes = [1], strides = [1]} : vector<16xi32> to vector<1xi32>
        %squeeze3A_435 = vector.extract %slice3A_434[0] : i32 from vector<1xi32>
        %gt3A_436 = arith.constant 0 : i32
        %gt3A_437 = arith.cmpi sgt, %add3A_430, %gt3A_436 : i32
        %ne3A_438 = arith.cmpi ne, %squeeze3A_435, %squeeze3A : i32
        %and3A_439 = arith.andi %gt3A_437, %ne3A_438 : i1
        %eq3A_440 = arith.constant 0 : i32
        %eq3A_441 = arith.cmpi eq, %select_n3A_358, %eq3A_440 : i32
        %and3A_442 = arith.andi %and3A_439, %eq3A_441 : i1
        %gt3A_443 = arith.constant 0 : i32
        %gt3A_444 = arith.cmpi sgt, %select_n3A_358, %gt3A_443 : i32
        %and3A_445 = arith.andi %and3A_439, %gt3A_444 : i1
        %convert_element_type3A_446 = arith.extui %and3A_442 : i1 to i32
        %cond3A_447 = arith.constant 0 : i32
        %cond3A_448 = arith.cmpi ne, %convert_element_type3A_446, %cond3A_447 : i32
        scf.if %cond3A_448 {
          %swap3A_523 = arith.constant 0 : index
          %swap3A_524 = tpu.vector_load %arg10[%swap3A_523] {strides = array<i32>} : memref<128xf32, #tpu.memory_space<vmem>>, vector<16xf32>,
          %swap3A_525 = vector.shape_cast %swap3A_524 : vector<16xf32> to vector<16xf32>
          %swap3A_526 = vector.shape_cast %add3A_369 : vector<16xf32> to vector<16xf32>
          tpu.vector_store %arg10[%swap3A_523], %swap3A_526 {strides = array<i32>} : memref<128xf32, #tpu.memory_space<vmem>>, vector<16xf32>,
          %swap3A_527 = arith.constant 16 : index
          %swap3A_528 = tpu.vector_load %arg10[%swap3A_527] {strides = array<i32>} : memref<128xf32, #tpu.memory_space<vmem>>, vector<16xf32>,
          %swap3A_529 = vector.shape_cast %swap3A_528 : vector<16xf32> to vector<16xf32>
          %swap3A_530 = vector.shape_cast %add3A_377 : vector<16xf32> to vector<16xf32>
          tpu.vector_store %arg10[%swap3A_527], %swap3A_530 {strides = array<i32>} : memref<128xf32, #tpu.memory_space<vmem>>, vector<16xf32>,
          %swap3A_531 = arith.constant 32 : index
          %swap3A_532 = tpu.vector_load %arg10[%swap3A_531] {strides = array<i32>} : memref<128xf32, #tpu.memory_space<vmem>>, vector<16xf32>,
          %swap3A_533 = vector.shape_cast %swap3A_532 : vector<16xf32> to vector<16xf32>
          %swap3A_534 = vector.shape_cast %add3A_385 : vector<16xf32> to vector<16xf32>
          tpu.vector_store %arg10[%swap3A_531], %swap3A_534 {strides = array<i32>} : memref<128xf32, #tpu.memory_space<vmem>>, vector<16xf32>,
          %swap3A_535 = arith.constant 48 : index
          %swap3A_536 = tpu.vector_load %arg10[%swap3A_535] {strides = array<i32>} : memref<128xf32, #tpu.memory_space<vmem>>, vector<16xf32>,
          %swap3A_537 = vector.shape_cast %swap3A_536 : vector<16xf32> to vector<16xf32>
          %swap3A_538 = vector.shape_cast %add3A_393 : vector<16xf32> to vector<16xf32>
          tpu.vector_store %arg10[%swap3A_535], %swap3A_538 {strides = array<i32>} : memref<128xf32, #tpu.memory_space<vmem>>, vector<16xf32>,
          %swap3A_539 = arith.constant 64 : index
          %swap3A_540 = tpu.vector_load %arg10[%swap3A_539] {strides = array<i32>} : memref<128xf32, #tpu.memory_space<vmem>>, vector<16xf32>,
          %swap3A_541 = vector.shape_cast %swap3A_540 : vector<16xf32> to vector<16xf32>
          %swap3A_542 = vector.shape_cast %add3A_401 : vector<16xf32> to vector<16xf32>
          tpu.vector_store %arg10[%swap3A_539], %swap3A_542 {strides = array<i32>} : memref<128xf32, #tpu.memory_space<vmem>>, vector<16xf32>,
          %swap3A_543 = arith.constant 80 : index
          %swap3A_544 = tpu.vector_load %arg10[%swap3A_543] {strides = array<i32>} : memref<128xf32, #tpu.memory_space<vmem>>, vector<16xf32>,
          %swap3A_545 = vector.shape_cast %swap3A_544 : vector<16xf32> to vector<16xf32>
          %swap3A_546 = vector.shape_cast %add3A_409 : vector<16xf32> to vector<16xf32>
          tpu.vector_store %arg10[%swap3A_543], %swap3A_546 {strides = array<i32>} : memref<128xf32, #tpu.memory_space<vmem>>, vector<16xf32>,
          %swap3A_547 = arith.constant 96 : index
          %swap3A_548 = tpu.vector_load %arg10[%swap3A_547] {strides = array<i32>} : memref<128xf32, #tpu.memory_space<vmem>>, vector<16xf32>,
          %swap3A_549 = vector.shape_cast %swap3A_548 : vector<16xf32> to vector<16xf32>
          %swap3A_550 = vector.shape_cast %add3A_417 : vector<16xf32> to vector<16xf32>
          tpu.vector_store %arg10[%swap3A_547], %swap3A_550 {strides = array<i32>} : memref<128xf32, #tpu.memory_space<vmem>>, vector<16xf32>,
          %swap3A_551 = arith.constant 112 : index
          %swap3A_552 = tpu.vector_load %arg10[%swap3A_551] {strides = array<i32>} : memref<128xf32, #tpu.memory_space<vmem>>, vector<16xf32>,
          %swap3A_553 = vector.shape_cast %swap3A_552 : vector<16xf32> to vector<16xf32>
          %swap3A_554 = vector.shape_cast %add3A_425 : vector<16xf32> to vector<16xf32>
          tpu.vector_store %arg10[%swap3A_551], %swap3A_554 {strides = array<i32>} : memref<128xf32, #tpu.memory_space<vmem>>, vector<16xf32>,
          %convert_element_type3A_555 = arith.sitofp %squeeze3A : i32 to f32
          %eq3A_556 = arith.constant 0 : i32
          %eq3A_557 = vector.broadcast %eq3A_556 : i32 to vector<16xi32>
          %eq3A_558 = arith.cmpi eq, %iota3A, %eq3A_557 : vector<16xi32>
          %broadcast_in_dim3A_559 = vector.broadcast %convert_element_type3A_555 : f32 to vector<16xf32>
          %select_n3A_560 = arith.select %eq3A_558, %broadcast_in_dim3A_559, %broadcast_in_dim3A_32 : vector<16xi1>, vector<16xf32>
          %eq3A_561 = arith.constant 1 : i32
          %eq3A_562 = vector.broadcast %eq3A_561 : i32 to vector<16xi32>
          %eq3A_563 = arith.cmpi eq, %iota3A, %eq3A_562 : vector<16xi32>
          %broadcast_in_dim3A_564 = vector.broadcast %add3A_361 : f32 to vector<16xf32>
          %select_n3A_565 = arith.select %eq3A_563, %broadcast_in_dim3A_564, %broadcast_in_dim3A_32 : vector<16xi1>, vector<16xf32>
          %add3A_566 = arith.addf %select_n3A_560, %select_n3A_565 : vector<16xf32>
          %swap3A_567 = arith.constant 0 : index
          %swap3A_568 = tpu.vector_load %arg11[%swap3A_567] {strides = array<i32>} : memref<16xf32, #tpu.memory_space<vmem>>, vector<16xf32>,
          %swap3A_569 = vector.shape_cast %swap3A_568 : vector<16xf32> to vector<16xf32>
          %swap3A_570 = vector.shape_cast %add3A_566 : vector<16xf32> to vector<16xf32>
          tpu.vector_store %arg11[%swap3A_567], %swap3A_570 {strides = array<i32>} : memref<16xf32, #tpu.memory_space<vmem>>, vector<16xf32>,
        } else {
        }
        %convert_element_type3A_449 = arith.extui %and3A_445 : i1 to i32
        %cond3A_450 = arith.constant 0 : i32
        %cond3A_451 = arith.cmpi ne, %convert_element_type3A_449, %cond3A_450 : i32
        scf.if %cond3A_451 {
          %mul3A_523 = arith.mulf %add3A_369, %add3A_369 : vector<16xf32>
          %mul3A_524 = arith.mulf %add3A_377, %add3A_377 : vector<16xf32>
          %add3A_525 = arith.addf %mul3A_523, %mul3A_524 : vector<16xf32>
          %mul3A_526 = arith.mulf %add3A_385, %add3A_385 : vector<16xf32>
          %add3A_527 = arith.addf %add3A_525, %mul3A_526 : vector<16xf32>
          %mul3A_528 = arith.mulf %add3A_393, %add3A_393 : vector<16xf32>
          %add3A_529 = arith.addf %add3A_527, %mul3A_528 : vector<16xf32>
          %mul3A_530 = arith.mulf %add3A_401, %add3A_401 : vector<16xf32>
          %add3A_531 = arith.addf %add3A_529, %mul3A_530 : vector<16xf32>
          %mul3A_532 = arith.mulf %add3A_409, %add3A_409 : vector<16xf32>
          %add3A_533 = arith.addf %add3A_531, %mul3A_532 : vector<16xf32>
          %mul3A_534 = arith.mulf %add3A_417, %add3A_417 : vector<16xf32>
          %add3A_535 = arith.addf %add3A_533, %mul3A_534 : vector<16xf32>
          %mul3A_536 = arith.mulf %add3A_425, %add3A_425 : vector<16xf32>
          %add3A_537 = arith.addf %add3A_535, %mul3A_536 : vector<16xf32>
          %add3A_538 = vector.broadcast %add3A_361 : f32 to vector<16xf32>
          %add3A_539 = arith.addf %broadcast_in_dim3A_32, %add3A_538 : vector<16xf32>
          %max3A = arith.constant 1.000000e+00 : f32
          %max3A_540 = vector.broadcast %max3A : f32 to vector<16xf32>
          %max3A_541 = arith.maximumf %add3A_539, %max3A_540 : vector<16xf32>
          %div3A = arith.constant 1.000000e+00 : f32
          %div3A_542 = vector.broadcast %div3A : f32 to vector<16xf32>
          %div3A_543 = arith.divf %div3A_542, %max3A_541 : vector<16xf32>
          %get3A_544 = arith.constant 0 : index
          %get3A_545 = tpu.vector_load %arg12[%get3A_544] {strides = array<i32>} : memref<16xf32, #tpu.memory_space<vmem>>, vector<16xf32>,
          %get3A_546 = vector.shape_cast %get3A_545 : vector<16xf32> to vector<16xf32>
          %mul3A_547 = arith.mulf %add3A_537, %div3A_543 : vector<16xf32>
          %add3A_548 = arith.addf %get3A_546, %mul3A_547 : vector<16xf32>
          %swap3A_549 = arith.constant 0 : index
          %swap3A_550 = tpu.vector_load %arg12[%swap3A_549] {strides = array<i32>} : memref<16xf32, #tpu.memory_space<vmem>>, vector<16xf32>,
          %swap3A_551 = vector.shape_cast %swap3A_550 : vector<16xf32> to vector<16xf32>
          %swap3A_552 = vector.shape_cast %add3A_548 : vector<16xf32> to vector<16xf32>
          tpu.vector_store %arg12[%swap3A_549], %swap3A_552 {strides = array<i32>} : memref<16xf32, #tpu.memory_space<vmem>>, vector<16xf32>,
        } else {
        }
        %add3A_452 = arith.constant 1 : i32
        %add3A_453 = arith.addi %select_n3A_358, %add3A_452 : i32
        %select_n3A_454 = arith.select %and3A_439, %add3A_453, %select_n3A_358 : i32
        %jit3A_455 = arith.constant 0.000000e+00 : f32
        %select_n3A_456 = arith.select %and3A_439, %jit3A_455, %add3A_361 : f32
        %add3A_457 = arith.constant 1.000000e+00 : f32
        %add3A_458 = arith.addf %select_n3A_456, %add3A_457 : f32
        %get3A_459 = arith.constant 0 : i32
        %get3A_460 = arith.index_cast %get3A_459 : i32 to index
        %get3A_461 = arith.index_cast %add3A_429 : i32 to index
        %get3A_462 = arith.constant 0 : index
        %get3A_463 = tpu.vector_load %arg7[%get3A_460, %get3A_461, %get3A_462] {strides = array<i32>} : memref<2x200x128xf32, #tpu.memory_space<vmem>>, vector<1x1x16xf32>,
        %get3A_464 = vector.shape_cast %get3A_463 : vector<1x1x16xf32> to vector<16xf32>
        %select_n3A_465 = arith.select %and3A_439, %broadcast_in_dim3A_32, %add3A_369 : vector<16xf32>
        %add3A_466 = arith.addf %select_n3A_465, %get3A_464 : vector<16xf32>
        %get3A_467 = arith.constant 0 : i32
        %get3A_468 = arith.index_cast %get3A_467 : i32 to index
        %get3A_469 = arith.index_cast %add3A_429 : i32 to index
        %get3A_470 = arith.constant 16 : index
        %get3A_471 = tpu.vector_load %arg7[%get3A_468, %get3A_469, %get3A_470] {strides = array<i32>} : memref<2x200x128xf32, #tpu.memory_space<vmem>>, vector<1x1x16xf32>,
        %get3A_472 = vector.shape_cast %get3A_471 : vector<1x1x16xf32> to vector<16xf32>
        %select_n3A_473 = arith.select %and3A_439, %broadcast_in_dim3A_32, %add3A_377 : vector<16xf32>
        %add3A_474 = arith.addf %select_n3A_473, %get3A_472 : vector<16xf32>
        %get3A_475 = arith.constant 0 : i32
        %get3A_476 = arith.index_cast %get3A_475 : i32 to index
        %get3A_477 = arith.index_cast %add3A_429 : i32 to index
        %get3A_478 = arith.constant 32 : index
        %get3A_479 = tpu.vector_load %arg7[%get3A_476, %get3A_477, %get3A_478] {strides = array<i32>} : memref<2x200x128xf32, #tpu.memory_space<vmem>>, vector<1x1x16xf32>,
        %get3A_480 = vector.shape_cast %get3A_479 : vector<1x1x16xf32> to vector<16xf32>
        %select_n3A_481 = arith.select %and3A_439, %broadcast_in_dim3A_32, %add3A_385 : vector<16xf32>
        %add3A_482 = arith.addf %select_n3A_481, %get3A_480 : vector<16xf32>
        %get3A_483 = arith.constant 0 : i32
        %get3A_484 = arith.index_cast %get3A_483 : i32 to index
        %get3A_485 = arith.index_cast %add3A_429 : i32 to index
        %get3A_486 = arith.constant 48 : index
        %get3A_487 = tpu.vector_load %arg7[%get3A_484, %get3A_485, %get3A_486] {strides = array<i32>} : memref<2x200x128xf32, #tpu.memory_space<vmem>>, vector<1x1x16xf32>,
        %get3A_488 = vector.shape_cast %get3A_487 : vector<1x1x16xf32> to vector<16xf32>
        %select_n3A_489 = arith.select %and3A_439, %broadcast_in_dim3A_32, %add3A_393 : vector<16xf32>
        %add3A_490 = arith.addf %select_n3A_489, %get3A_488 : vector<16xf32>
        %get3A_491 = arith.constant 0 : i32
        %get3A_492 = arith.index_cast %get3A_491 : i32 to index
        %get3A_493 = arith.index_cast %add3A_429 : i32 to index
        %get3A_494 = arith.constant 64 : index
        %get3A_495 = tpu.vector_load %arg7[%get3A_492, %get3A_493, %get3A_494] {strides = array<i32>} : memref<2x200x128xf32, #tpu.memory_space<vmem>>, vector<1x1x16xf32>,
        %get3A_496 = vector.shape_cast %get3A_495 : vector<1x1x16xf32> to vector<16xf32>
        %select_n3A_497 = arith.select %and3A_439, %broadcast_in_dim3A_32, %add3A_401 : vector<16xf32>
        %add3A_498 = arith.addf %select_n3A_497, %get3A_496 : vector<16xf32>
        %get3A_499 = arith.constant 0 : i32
        %get3A_500 = arith.index_cast %get3A_499 : i32 to index
        %get3A_501 = arith.index_cast %add3A_429 : i32 to index
        %get3A_502 = arith.constant 80 : index
        %get3A_503 = tpu.vector_load %arg7[%get3A_500, %get3A_501, %get3A_502] {strides = array<i32>} : memref<2x200x128xf32, #tpu.memory_space<vmem>>, vector<1x1x16xf32>,
        %get3A_504 = vector.shape_cast %get3A_503 : vector<1x1x16xf32> to vector<16xf32>
        %select_n3A_505 = arith.select %and3A_439, %broadcast_in_dim3A_32, %add3A_409 : vector<16xf32>
        %add3A_506 = arith.addf %select_n3A_505, %get3A_504 : vector<16xf32>
        %get3A_507 = arith.constant 0 : i32
        %get3A_508 = arith.index_cast %get3A_507 : i32 to index
        %get3A_509 = arith.index_cast %add3A_429 : i32 to index
        %get3A_510 = arith.constant 96 : index
        %get3A_511 = tpu.vector_load %arg7[%get3A_508, %get3A_509, %get3A_510] {strides = array<i32>} : memref<2x200x128xf32, #tpu.memory_space<vmem>>, vector<1x1x16xf32>,
        %get3A_512 = vector.shape_cast %get3A_511 : vector<1x1x16xf32> to vector<16xf32>
        %select_n3A_513 = arith.select %and3A_439, %broadcast_in_dim3A_32, %add3A_417 : vector<16xf32>
        %add3A_514 = arith.addf %select_n3A_513, %get3A_512 : vector<16xf32>
        %get3A_515 = arith.constant 0 : i32
        %get3A_516 = arith.index_cast %get3A_515 : i32 to index
        %get3A_517 = arith.index_cast %add3A_429 : i32 to index
        %get3A_518 = arith.constant 112 : index
        %get3A_519 = tpu.vector_load %arg7[%get3A_516, %get3A_517, %get3A_518] {strides = array<i32>} : memref<2x200x128xf32, #tpu.memory_space<vmem>>, vector<1x1x16xf32>,
        %get3A_520 = vector.shape_cast %get3A_519 : vector<1x1x16xf32> to vector<16xf32>
        %select_n3A_521 = arith.select %and3A_439, %broadcast_in_dim3A_32, %add3A_425 : vector<16xf32>
        %add3A_522 = arith.addf %select_n3A_521, %get3A_520 : vector<16xf32>
        scf.yield %add3A_466, %add3A_474, %add3A_482, %add3A_490, %add3A_498, %add3A_506, %add3A_514, %add3A_522, %add3A_458, %select_n3A_454, %squeeze3A_435 : vector<16xf32>, vector<16xf32>, vector<16xf32>, vector<16xf32>, vector<16xf32>, vector<16xf32>, vector<16xf32>, vector<16xf32>, f32, i32, i32
      }
      %scan3A_284 = arith.constant 100 : i32
      %add3A_285 = arith.constant 2 : i32
      %add3A_286 = arith.addi %add3A_261, %add3A_285 : i32
      %lt3A = arith.constant 50 : i32
      %lt3A_287 = arith.cmpi slt, %add3A_286, %lt3A : i32
      %convert_element_type3A_288 = arith.extui %lt3A_287 : i1 to i32
      %cond3A = arith.constant 0 : i32
      %cond3A_289 = arith.cmpi ne, %convert_element_type3A_288, %cond3A : i32
      scf.if %cond3A_289 {
        %add3A_325 = arith.constant 2 : i32
        %add3A_326 = arith.addi %add3A_261, %add3A_325 : i32
        %mul3A_327 = arith.constant 200 : i32
        %mul3A_328 = arith.muli %add3A_326, %mul3A_327 : i32
        %add3A_329 = arith.addi %mul3A_2, %mul3A_328 : i32
        %dma_start3A_330 = arith.constant 0 : i32
        %dma_start3A_331 = arith.constant 0 : i32
        %dma_start3A_332 = arith.constant 0 : i32
        %dma_start3A_333 = tpu.memref_slice %arg7[%dma_start3A_330, %dma_start3A_331, %dma_start3A_332] : memref<2x200x128xf32, #tpu.memory_space<vmem>> -> memref<1x200x128xf32, #tpu.memory_space<vmem>>
        %dma_start3A_334 = tpu.memref_squeeze %dma_start3A_333 : memref<1x200x128xf32, #tpu.memory_space<vmem>> -> memref<200x128xf32, #tpu.memory_space<vmem>>
        %dma_start3A_335 = arith.constant 0 : i32
        %dma_start3A_336 = tpu.memref_slice %arg2[%add3A_329, %dma_start3A_335] : memref<320000x128xf32, #tpu.memory_space<hbm>> -> memref<200x128xf32, #tpu.memory_space<hbm>>
        %dma_start3A_337 = arith.constant 0 : i32
        %dma_start3A_338 = arith.constant 0 : i32
        %dma_start3A_339 = tpu.memref_slice %arg7[%dma_start3A_330, %dma_start3A_337, %dma_start3A_338] : memref<2x200x128xf32, #tpu.memory_space<vmem>> -> memref<1x200x128xf32, #tpu.memory_space<vmem>>
        %dma_start3A_340 = tpu.memref_squeeze %dma_start3A_339 : memref<1x200x128xf32, #tpu.memory_space<vmem>> -> memref<200x128xf32, #tpu.memory_space<vmem>>
        %dma_start3A_341 = arith.constant 0 : i32
        %dma_start3A_342 = tpu.memref_slice %arg2[%add3A_329, %dma_start3A_341] : memref<320000x128xf32, #tpu.memory_space<hbm>> -> memref<200x128xf32, #tpu.memory_space<hbm>>
        tpu.enqueue_dma source(%dma_start3A_342 : memref<200x128xf32, #tpu.memory_space<hbm>>) target(%dma_start3A_340 : memref<200x128xf32, #tpu.memory_space<vmem>>) target_semaphore(%arg13 : memref<!tpu.dma_semaphore, #tpu.memory_space<semaphore_mem>>)
      } else {
      }
      %mul3A_290 = arith.constant 2 : i32
      %mul3A_291 = arith.muli %mul3A_290, %scan3A_246 : i32
      %add3A_292 = arith.constant 1 : i32
      %add3A_293 = arith.addi %mul3A_291, %add3A_292 : i32
      %mul3A_294 = arith.constant 200 : i32
      %mul3A_295 = arith.muli %add3A_293, %mul3A_294 : i32
      %add3A_296 = arith.addi %mul3A_2, %mul3A_295 : i32
      %dma_wait3A_297 = arith.constant 1 : i32
      %dma_wait3A_298 = arith.constant 0 : i32
      %dma_wait3A_299 = arith.constant 0 : i32
      %dma_wait3A_300 = tpu.memref_slice %arg7[%dma_wait3A_297, %dma_wait3A_298, %dma_wait3A_299] : memref<2x200x128xf32, #tpu.memory_space<vmem>> -> memref<1x200x128xf32, #tpu.memory_space<vmem>>
      %dma_wait3A_301 = tpu.memref_squeeze %dma_wait3A_300 : memref<1x200x128xf32, #tpu.memory_space<vmem>> -> memref<200x128xf32, #tpu.memory_space<vmem>>
      %dma_wait3A_302 = arith.constant 0 : i32
      %dma_wait3A_303 = tpu.memref_slice %arg2[%add3A_296, %dma_wait3A_302] : memref<320000x128xf32, #tpu.memory_space<hbm>> -> memref<200x128xf32, #tpu.memory_space<hbm>>
      %dma_wait3A_304 = arith.constant 0 : i32
      %dma_wait3A_305 = arith.constant 0 : i32
      %dma_wait3A_306 = tpu.memref_slice %arg7[%dma_wait3A_297, %dma_wait3A_304, %dma_wait3A_305] : memref<2x200x128xf32, #tpu.memory_space<vmem>> -> memref<1x200x128xf32, #tpu.memory_space<vmem>>
      %dma_wait3A_307 = tpu.memref_squeeze %dma_wait3A_306 : memref<1x200x128xf32, #tpu.memory_space<vmem>> -> memref<200x128xf32, #tpu.memory_space<vmem>>
      %dma_wait3A_308 = arith.constant 0 : i32
      %dma_wait3A_309 = tpu.memref_slice %arg2[%add3A_296, %dma_wait3A_308] : memref<320000x128xf32, #tpu.memory_space<hbm>> -> memref<200x128xf32, #tpu.memory_space<hbm>>
      tpu.wait_dma2 semaphore(%arg14 : memref<!tpu.dma_semaphore, #tpu.memory_space<semaphore_mem>>) src(%dma_wait3A_309 : memref<200x128xf32, #tpu.memory_space<hbm>>) dst(%dma_wait3A_307 : memref<200x128xf32, #tpu.memory_space<vmem>>)
      %mul3A_310 = arith.constant 200 : i32
      %mul3A_311 = arith.muli %add3A_293, %mul3A_310 : i32
      %scan3A_312 = arith.constant 0 : i32
      %scan3A_313 = arith.constant 100 : i32
      %scan3A_314 = arith.addi %scan3A_312, %scan3A_313 : i32
      %scan3A_315 = arith.constant 1 : i32
      %scan3A_316:11 = scf.for %scan3A_325 = %scan3A_312 to %scan3A_314 step %scan3A_315 iter_args(%scan3A_326 = %scan3A_283#0, %scan3A_327 = %scan3A_283#1, %scan3A_328 = %scan3A_283#2, %scan3A_329 = %scan3A_283#3, %scan3A_330 = %scan3A_283#4, %scan3A_331 = %scan3A_283#5, %scan3A_332 = %scan3A_283#6, %scan3A_333 = %scan3A_283#7, %scan3A_334 = %scan3A_283#8, %scan3A_335 = %scan3A_283#9, %scan3A_336 = %scan3A_283#10) -> (vector<16xf32>, vector<16xf32>, vector<16xf32>, vector<16xf32>, vector<16xf32>, vector<16xf32>, vector<16xf32>, vector<16xf32>, f32, i32, i32)  : i32 {
        %mul3A_337 = arith.constant 2 : i32
        %mul3A_338 = arith.muli %mul3A_337, %scan3A_325 : i32
        %add3A_339 = arith.addi %mul3A_311, %mul3A_338 : i32
        %get3A_340 = arith.index_cast %add3A_339 : i32 to index
        %get3A_341 = tpu.vector_load %arg6[%get3A_340] {strides = array<i32>} : memref<10016xi32, #tpu.memory_space<vmem>>, vector<16xi32>,
        %get3A_342 = vector.shape_cast %get3A_341 : vector<16xi32> to vector<16xi32>
        %slice3A = vector.extract_strided_slice %get3A_342 {offsets = [0], sizes = [1], strides = [1]} : vector<16xi32> to vector<1xi32>
        %squeeze3A = vector.extract %slice3A[0] : i32 from vector<1xi32>
        %gt3A = arith.constant 0 : i32
        %gt3A_343 = arith.cmpi sgt, %add3A_339, %gt3A : i32
        %ne3A = arith.cmpi ne, %squeeze3A, %scan3A_336 : i32
        %and3A = arith.andi %gt3A_343, %ne3A : i1
        %eq3A_344 = arith.constant 0 : i32
        %eq3A_345 = arith.cmpi eq, %scan3A_335, %eq3A_344 : i32
        %and3A_346 = arith.andi %and3A, %eq3A_345 : i1
        %gt3A_347 = arith.constant 0 : i32
        %gt3A_348 = arith.cmpi sgt, %scan3A_335, %gt3A_347 : i32
        %and3A_349 = arith.andi %and3A, %gt3A_348 : i1
        %convert_element_type3A_350 = arith.extui %and3A_346 : i1 to i32
        %cond3A_351 = arith.constant 0 : i32
        %cond3A_352 = arith.cmpi ne, %convert_element_type3A_350, %cond3A_351 : i32
        scf.if %cond3A_352 {
          %swap3A_523 = arith.constant 0 : index
          %swap3A_524 = tpu.vector_load %arg10[%swap3A_523] {strides = array<i32>} : memref<128xf32, #tpu.memory_space<vmem>>, vector<16xf32>,
          %swap3A_525 = vector.shape_cast %swap3A_524 : vector<16xf32> to vector<16xf32>
          %swap3A_526 = vector.shape_cast %scan3A_326 : vector<16xf32> to vector<16xf32>
          tpu.vector_store %arg10[%swap3A_523], %swap3A_526 {strides = array<i32>} : memref<128xf32, #tpu.memory_space<vmem>>, vector<16xf32>,
          %swap3A_527 = arith.constant 16 : index
          %swap3A_528 = tpu.vector_load %arg10[%swap3A_527] {strides = array<i32>} : memref<128xf32, #tpu.memory_space<vmem>>, vector<16xf32>,
          %swap3A_529 = vector.shape_cast %swap3A_528 : vector<16xf32> to vector<16xf32>
          %swap3A_530 = vector.shape_cast %scan3A_327 : vector<16xf32> to vector<16xf32>
          tpu.vector_store %arg10[%swap3A_527], %swap3A_530 {strides = array<i32>} : memref<128xf32, #tpu.memory_space<vmem>>, vector<16xf32>,
          %swap3A_531 = arith.constant 32 : index
          %swap3A_532 = tpu.vector_load %arg10[%swap3A_531] {strides = array<i32>} : memref<128xf32, #tpu.memory_space<vmem>>, vector<16xf32>,
          %swap3A_533 = vector.shape_cast %swap3A_532 : vector<16xf32> to vector<16xf32>
          %swap3A_534 = vector.shape_cast %scan3A_328 : vector<16xf32> to vector<16xf32>
          tpu.vector_store %arg10[%swap3A_531], %swap3A_534 {strides = array<i32>} : memref<128xf32, #tpu.memory_space<vmem>>, vector<16xf32>,
          %swap3A_535 = arith.constant 48 : index
          %swap3A_536 = tpu.vector_load %arg10[%swap3A_535] {strides = array<i32>} : memref<128xf32, #tpu.memory_space<vmem>>, vector<16xf32>,
          %swap3A_537 = vector.shape_cast %swap3A_536 : vector<16xf32> to vector<16xf32>
          %swap3A_538 = vector.shape_cast %scan3A_329 : vector<16xf32> to vector<16xf32>
          tpu.vector_store %arg10[%swap3A_535], %swap3A_538 {strides = array<i32>} : memref<128xf32, #tpu.memory_space<vmem>>, vector<16xf32>,
          %swap3A_539 = arith.constant 64 : index
          %swap3A_540 = tpu.vector_load %arg10[%swap3A_539] {strides = array<i32>} : memref<128xf32, #tpu.memory_space<vmem>>, vector<16xf32>,
          %swap3A_541 = vector.shape_cast %swap3A_540 : vector<16xf32> to vector<16xf32>
          %swap3A_542 = vector.shape_cast %scan3A_330 : vector<16xf32> to vector<16xf32>
          tpu.vector_store %arg10[%swap3A_539], %swap3A_542 {strides = array<i32>} : memref<128xf32, #tpu.memory_space<vmem>>, vector<16xf32>,
          %swap3A_543 = arith.constant 80 : index
          %swap3A_544 = tpu.vector_load %arg10[%swap3A_543] {strides = array<i32>} : memref<128xf32, #tpu.memory_space<vmem>>, vector<16xf32>,
          %swap3A_545 = vector.shape_cast %swap3A_544 : vector<16xf32> to vector<16xf32>
          %swap3A_546 = vector.shape_cast %scan3A_331 : vector<16xf32> to vector<16xf32>
          tpu.vector_store %arg10[%swap3A_543], %swap3A_546 {strides = array<i32>} : memref<128xf32, #tpu.memory_space<vmem>>, vector<16xf32>,
          %swap3A_547 = arith.constant 96 : index
          %swap3A_548 = tpu.vector_load %arg10[%swap3A_547] {strides = array<i32>} : memref<128xf32, #tpu.memory_space<vmem>>, vector<16xf32>,
          %swap3A_549 = vector.shape_cast %swap3A_548 : vector<16xf32> to vector<16xf32>
          %swap3A_550 = vector.shape_cast %scan3A_332 : vector<16xf32> to vector<16xf32>
          tpu.vector_store %arg10[%swap3A_547], %swap3A_550 {strides = array<i32>} : memref<128xf32, #tpu.memory_space<vmem>>, vector<16xf32>,
          %swap3A_551 = arith.constant 112 : index
          %swap3A_552 = tpu.vector_load %arg10[%swap3A_551] {strides = array<i32>} : memref<128xf32, #tpu.memory_space<vmem>>, vector<16xf32>,
          %swap3A_553 = vector.shape_cast %swap3A_552 : vector<16xf32> to vector<16xf32>
          %swap3A_554 = vector.shape_cast %scan3A_333 : vector<16xf32> to vector<16xf32>
          tpu.vector_store %arg10[%swap3A_551], %swap3A_554 {strides = array<i32>} : memref<128xf32, #tpu.memory_space<vmem>>, vector<16xf32>,
          %convert_element_type3A_555 = arith.sitofp %scan3A_336 : i32 to f32
          %eq3A_556 = arith.constant 0 : i32
          %eq3A_557 = vector.broadcast %eq3A_556 : i32 to vector<16xi32>
          %eq3A_558 = arith.cmpi eq, %iota3A, %eq3A_557 : vector<16xi32>
          %broadcast_in_dim3A_559 = vector.broadcast %convert_element_type3A_555 : f32 to vector<16xf32>
          %select_n3A_560 = arith.select %eq3A_558, %broadcast_in_dim3A_559, %broadcast_in_dim3A_32 : vector<16xi1>, vector<16xf32>
          %eq3A_561 = arith.constant 1 : i32
          %eq3A_562 = vector.broadcast %eq3A_561 : i32 to vector<16xi32>
          %eq3A_563 = arith.cmpi eq, %iota3A, %eq3A_562 : vector<16xi32>
          %broadcast_in_dim3A_564 = vector.broadcast %scan3A_334 : f32 to vector<16xf32>
          %select_n3A_565 = arith.select %eq3A_563, %broadcast_in_dim3A_564, %broadcast_in_dim3A_32 : vector<16xi1>, vector<16xf32>
          %add3A_566 = arith.addf %select_n3A_560, %select_n3A_565 : vector<16xf32>
          %swap3A_567 = arith.constant 0 : index
          %swap3A_568 = tpu.vector_load %arg11[%swap3A_567] {strides = array<i32>} : memref<16xf32, #tpu.memory_space<vmem>>, vector<16xf32>,
          %swap3A_569 = vector.shape_cast %swap3A_568 : vector<16xf32> to vector<16xf32>
          %swap3A_570 = vector.shape_cast %add3A_566 : vector<16xf32> to vector<16xf32>
          tpu.vector_store %arg11[%swap3A_567], %swap3A_570 {strides = array<i32>} : memref<16xf32, #tpu.memory_space<vmem>>, vector<16xf32>,
        } else {
        }
        %convert_element_type3A_353 = arith.extui %and3A_349 : i1 to i32
        %cond3A_354 = arith.constant 0 : i32
        %cond3A_355 = arith.cmpi ne, %convert_element_type3A_353, %cond3A_354 : i32
        scf.if %cond3A_355 {
          %mul3A_523 = arith.mulf %scan3A_326, %scan3A_326 : vector<16xf32>
          %mul3A_524 = arith.mulf %scan3A_327, %scan3A_327 : vector<16xf32>
          %add3A_525 = arith.addf %mul3A_523, %mul3A_524 : vector<16xf32>
          %mul3A_526 = arith.mulf %scan3A_328, %scan3A_328 : vector<16xf32>
          %add3A_527 = arith.addf %add3A_525, %mul3A_526 : vector<16xf32>
          %mul3A_528 = arith.mulf %scan3A_329, %scan3A_329 : vector<16xf32>
          %add3A_529 = arith.addf %add3A_527, %mul3A_528 : vector<16xf32>
          %mul3A_530 = arith.mulf %scan3A_330, %scan3A_330 : vector<16xf32>
          %add3A_531 = arith.addf %add3A_529, %mul3A_530 : vector<16xf32>
          %mul3A_532 = arith.mulf %scan3A_331, %scan3A_331 : vector<16xf32>
          %add3A_533 = arith.addf %add3A_531, %mul3A_532 : vector<16xf32>
          %mul3A_534 = arith.mulf %scan3A_332, %scan3A_332 : vector<16xf32>
          %add3A_535 = arith.addf %add3A_533, %mul3A_534 : vector<16xf32>
          %mul3A_536 = arith.mulf %scan3A_333, %scan3A_333 : vector<16xf32>
          %add3A_537 = arith.addf %add3A_535, %mul3A_536 : vector<16xf32>
          %add3A_538 = vector.broadcast %scan3A_334 : f32 to vector<16xf32>
          %add3A_539 = arith.addf %broadcast_in_dim3A_32, %add3A_538 : vector<16xf32>
          %max3A = arith.constant 1.000000e+00 : f32
          %max3A_540 = vector.broadcast %max3A : f32 to vector<16xf32>
          %max3A_541 = arith.maximumf %add3A_539, %max3A_540 : vector<16xf32>
          %div3A = arith.constant 1.000000e+00 : f32
          %div3A_542 = vector.broadcast %div3A : f32 to vector<16xf32>
          %div3A_543 = arith.divf %div3A_542, %max3A_541 : vector<16xf32>
          %get3A_544 = arith.constant 0 : index
          %get3A_545 = tpu.vector_load %arg12[%get3A_544] {strides = array<i32>} : memref<16xf32, #tpu.memory_space<vmem>>, vector<16xf32>,
          %get3A_546 = vector.shape_cast %get3A_545 : vector<16xf32> to vector<16xf32>
          %mul3A_547 = arith.mulf %add3A_537, %div3A_543 : vector<16xf32>
          %add3A_548 = arith.addf %get3A_546, %mul3A_547 : vector<16xf32>
          %swap3A_549 = arith.constant 0 : index
          %swap3A_550 = tpu.vector_load %arg12[%swap3A_549] {strides = array<i32>} : memref<16xf32, #tpu.memory_space<vmem>>, vector<16xf32>,
          %swap3A_551 = vector.shape_cast %swap3A_550 : vector<16xf32> to vector<16xf32>
          %swap3A_552 = vector.shape_cast %add3A_548 : vector<16xf32> to vector<16xf32>
          tpu.vector_store %arg12[%swap3A_549], %swap3A_552 {strides = array<i32>} : memref<16xf32, #tpu.memory_space<vmem>>, vector<16xf32>,
        } else {
        }
        %add3A_356 = arith.constant 1 : i32
        %add3A_357 = arith.addi %scan3A_335, %add3A_356 : i32
        %select_n3A_358 = arith.select %and3A, %add3A_357, %scan3A_335 : i32
        %jit3A = arith.constant 0.000000e+00 : f32
        %select_n3A_359 = arith.select %and3A, %jit3A, %scan3A_334 : f32
        %add3A_360 = arith.constant 1.000000e+00 : f32
        %add3A_361 = arith.addf %select_n3A_359, %add3A_360 : f32
        %get3A_362 = arith.constant 1 : i32
        %get3A_363 = arith.index_cast %get3A_362 : i32 to index
        %get3A_364 = arith.index_cast %mul3A_338 : i32 to index
        %get3A_365 = arith.constant 0 : index
        %get3A_366 = tpu.vector_load %arg7[%get3A_363, %get3A_364, %get3A_365] {strides = array<i32>} : memref<2x200x128xf32, #tpu.memory_space<vmem>>, vector<1x1x16xf32>,
        %get3A_367 = vector.shape_cast %get3A_366 : vector<1x1x16xf32> to vector<16xf32>
        %select_n3A_368 = arith.select %and3A, %broadcast_in_dim3A_32, %scan3A_326 : vector<16xf32>
        %add3A_369 = arith.addf %select_n3A_368, %get3A_367 : vector<16xf32>
        %get3A_370 = arith.constant 1 : i32
        %get3A_371 = arith.index_cast %get3A_370 : i32 to index
        %get3A_372 = arith.index_cast %mul3A_338 : i32 to index
        %get3A_373 = arith.constant 16 : index
        %get3A_374 = tpu.vector_load %arg7[%get3A_371, %get3A_372, %get3A_373] {strides = array<i32>} : memref<2x200x128xf32, #tpu.memory_space<vmem>>, vector<1x1x16xf32>,
        %get3A_375 = vector.shape_cast %get3A_374 : vector<1x1x16xf32> to vector<16xf32>
        %select_n3A_376 = arith.select %and3A, %broadcast_in_dim3A_32, %scan3A_327 : vector<16xf32>
        %add3A_377 = arith.addf %select_n3A_376, %get3A_375 : vector<16xf32>
        %get3A_378 = arith.constant 1 : i32
        %get3A_379 = arith.index_cast %get3A_378 : i32 to index
        %get3A_380 = arith.index_cast %mul3A_338 : i32 to index
        %get3A_381 = arith.constant 32 : index
        %get3A_382 = tpu.vector_load %arg7[%get3A_379, %get3A_380, %get3A_381] {strides = array<i32>} : memref<2x200x128xf32, #tpu.memory_space<vmem>>, vector<1x1x16xf32>,
        %get3A_383 = vector.shape_cast %get3A_382 : vector<1x1x16xf32> to vector<16xf32>
        %select_n3A_384 = arith.select %and3A, %broadcast_in_dim3A_32, %scan3A_328 : vector<16xf32>
        %add3A_385 = arith.addf %select_n3A_384, %get3A_383 : vector<16xf32>
        %get3A_386 = arith.constant 1 : i32
        %get3A_387 = arith.index_cast %get3A_386 : i32 to index
        %get3A_388 = arith.index_cast %mul3A_338 : i32 to index
        %get3A_389 = arith.constant 48 : index
        %get3A_390 = tpu.vector_load %arg7[%get3A_387, %get3A_388, %get3A_389] {strides = array<i32>} : memref<2x200x128xf32, #tpu.memory_space<vmem>>, vector<1x1x16xf32>,
        %get3A_391 = vector.shape_cast %get3A_390 : vector<1x1x16xf32> to vector<16xf32>
        %select_n3A_392 = arith.select %and3A, %broadcast_in_dim3A_32, %scan3A_329 : vector<16xf32>
        %add3A_393 = arith.addf %select_n3A_392, %get3A_391 : vector<16xf32>
        %get3A_394 = arith.constant 1 : i32
        %get3A_395 = arith.index_cast %get3A_394 : i32 to index
        %get3A_396 = arith.index_cast %mul3A_338 : i32 to index
        %get3A_397 = arith.constant 64 : index
        %get3A_398 = tpu.vector_load %arg7[%get3A_395, %get3A_396, %get3A_397] {strides = array<i32>} : memref<2x200x128xf32, #tpu.memory_space<vmem>>, vector<1x1x16xf32>,
        %get3A_399 = vector.shape_cast %get3A_398 : vector<1x1x16xf32> to vector<16xf32>
        %select_n3A_400 = arith.select %and3A, %broadcast_in_dim3A_32, %scan3A_330 : vector<16xf32>
        %add3A_401 = arith.addf %select_n3A_400, %get3A_399 : vector<16xf32>
        %get3A_402 = arith.constant 1 : i32
        %get3A_403 = arith.index_cast %get3A_402 : i32 to index
        %get3A_404 = arith.index_cast %mul3A_338 : i32 to index
        %get3A_405 = arith.constant 80 : index
        %get3A_406 = tpu.vector_load %arg7[%get3A_403, %get3A_404, %get3A_405] {strides = array<i32>} : memref<2x200x128xf32, #tpu.memory_space<vmem>>, vector<1x1x16xf32>,
        %get3A_407 = vector.shape_cast %get3A_406 : vector<1x1x16xf32> to vector<16xf32>
        %select_n3A_408 = arith.select %and3A, %broadcast_in_dim3A_32, %scan3A_331 : vector<16xf32>
        %add3A_409 = arith.addf %select_n3A_408, %get3A_407 : vector<16xf32>
        %get3A_410 = arith.constant 1 : i32
        %get3A_411 = arith.index_cast %get3A_410 : i32 to index
        %get3A_412 = arith.index_cast %mul3A_338 : i32 to index
        %get3A_413 = arith.constant 96 : index
        %get3A_414 = tpu.vector_load %arg7[%get3A_411, %get3A_412, %get3A_413] {strides = array<i32>} : memref<2x200x128xf32, #tpu.memory_space<vmem>>, vector<1x1x16xf32>,
        %get3A_415 = vector.shape_cast %get3A_414 : vector<1x1x16xf32> to vector<16xf32>
        %select_n3A_416 = arith.select %and3A, %broadcast_in_dim3A_32, %scan3A_332 : vector<16xf32>
        %add3A_417 = arith.addf %select_n3A_416, %get3A_415 : vector<16xf32>
        %get3A_418 = arith.constant 1 : i32
        %get3A_419 = arith.index_cast %get3A_418 : i32 to index
        %get3A_420 = arith.index_cast %mul3A_338 : i32 to index
        %get3A_421 = arith.constant 112 : index
        %get3A_422 = tpu.vector_load %arg7[%get3A_419, %get3A_420, %get3A_421] {strides = array<i32>} : memref<2x200x128xf32, #tpu.memory_space<vmem>>, vector<1x1x16xf32>,
        %get3A_423 = vector.shape_cast %get3A_422 : vector<1x1x16xf32> to vector<16xf32>
        %select_n3A_424 = arith.select %and3A, %broadcast_in_dim3A_32, %scan3A_333 : vector<16xf32>
        %add3A_425 = arith.addf %select_n3A_424, %get3A_423 : vector<16xf32>
        %mul3A_426 = arith.constant 2 : i32
        %mul3A_427 = arith.muli %mul3A_426, %scan3A_325 : i32
        %add3A_428 = arith.constant 1 : i32
        %add3A_429 = arith.addi %mul3A_427, %add3A_428 : i32
        %add3A_430 = arith.addi %mul3A_311, %add3A_429 : i32
        %get3A_431 = arith.index_cast %add3A_430 : i32 to index
        %get3A_432 = tpu.vector_load %arg6[%get3A_431] {strides = array<i32>} : memref<10016xi32, #tpu.memory_space<vmem>>, vector<16xi32>,
        %get3A_433 = vector.shape_cast %get3A_432 : vector<16xi32> to vector<16xi32>
        %slice3A_434 = vector.extract_strided_slice %get3A_433 {offsets = [0], sizes = [1], strides = [1]} : vector<16xi32> to vector<1xi32>
        %squeeze3A_435 = vector.extract %slice3A_434[0] : i32 from vector<1xi32>
        %gt3A_436 = arith.constant 0 : i32
        %gt3A_437 = arith.cmpi sgt, %add3A_430, %gt3A_436 : i32
        %ne3A_438 = arith.cmpi ne, %squeeze3A_435, %squeeze3A : i32
        %and3A_439 = arith.andi %gt3A_437, %ne3A_438 : i1
        %eq3A_440 = arith.constant 0 : i32
        %eq3A_441 = arith.cmpi eq, %select_n3A_358, %eq3A_440 : i32
        %and3A_442 = arith.andi %and3A_439, %eq3A_441 : i1
        %gt3A_443 = arith.constant 0 : i32
        %gt3A_444 = arith.cmpi sgt, %select_n3A_358, %gt3A_443 : i32
        %and3A_445 = arith.andi %and3A_439, %gt3A_444 : i1
        %convert_element_type3A_446 = arith.extui %and3A_442 : i1 to i32
        %cond3A_447 = arith.constant 0 : i32
        %cond3A_448 = arith.cmpi ne, %convert_element_type3A_446, %cond3A_447 : i32
        scf.if %cond3A_448 {
          %swap3A_523 = arith.constant 0 : index
          %swap3A_524 = tpu.vector_load %arg10[%swap3A_523] {strides = array<i32>} : memref<128xf32, #tpu.memory_space<vmem>>, vector<16xf32>,
          %swap3A_525 = vector.shape_cast %swap3A_524 : vector<16xf32> to vector<16xf32>
          %swap3A_526 = vector.shape_cast %add3A_369 : vector<16xf32> to vector<16xf32>
          tpu.vector_store %arg10[%swap3A_523], %swap3A_526 {strides = array<i32>} : memref<128xf32, #tpu.memory_space<vmem>>, vector<16xf32>,
          %swap3A_527 = arith.constant 16 : index
          %swap3A_528 = tpu.vector_load %arg10[%swap3A_527] {strides = array<i32>} : memref<128xf32, #tpu.memory_space<vmem>>, vector<16xf32>,
          %swap3A_529 = vector.shape_cast %swap3A_528 : vector<16xf32> to vector<16xf32>
          %swap3A_530 = vector.shape_cast %add3A_377 : vector<16xf32> to vector<16xf32>
          tpu.vector_store %arg10[%swap3A_527], %swap3A_530 {strides = array<i32>} : memref<128xf32, #tpu.memory_space<vmem>>, vector<16xf32>,
          %swap3A_531 = arith.constant 32 : index
          %swap3A_532 = tpu.vector_load %arg10[%swap3A_531] {strides = array<i32>} : memref<128xf32, #tpu.memory_space<vmem>>, vector<16xf32>,
          %swap3A_533 = vector.shape_cast %swap3A_532 : vector<16xf32> to vector<16xf32>
          %swap3A_534 = vector.shape_cast %add3A_385 : vector<16xf32> to vector<16xf32>
          tpu.vector_store %arg10[%swap3A_531], %swap3A_534 {strides = array<i32>} : memref<128xf32, #tpu.memory_space<vmem>>, vector<16xf32>,
          %swap3A_535 = arith.constant 48 : index
          %swap3A_536 = tpu.vector_load %arg10[%swap3A_535] {strides = array<i32>} : memref<128xf32, #tpu.memory_space<vmem>>, vector<16xf32>,
          %swap3A_537 = vector.shape_cast %swap3A_536 : vector<16xf32> to vector<16xf32>
          %swap3A_538 = vector.shape_cast %add3A_393 : vector<16xf32> to vector<16xf32>
          tpu.vector_store %arg10[%swap3A_535], %swap3A_538 {strides = array<i32>} : memref<128xf32, #tpu.memory_space<vmem>>, vector<16xf32>,
          %swap3A_539 = arith.constant 64 : index
          %swap3A_540 = tpu.vector_load %arg10[%swap3A_539] {strides = array<i32>} : memref<128xf32, #tpu.memory_space<vmem>>, vector<16xf32>,
          %swap3A_541 = vector.shape_cast %swap3A_540 : vector<16xf32> to vector<16xf32>
          %swap3A_542 = vector.shape_cast %add3A_401 : vector<16xf32> to vector<16xf32>
          tpu.vector_store %arg10[%swap3A_539], %swap3A_542 {strides = array<i32>} : memref<128xf32, #tpu.memory_space<vmem>>, vector<16xf32>,
          %swap3A_543 = arith.constant 80 : index
          %swap3A_544 = tpu.vector_load %arg10[%swap3A_543] {strides = array<i32>} : memref<128xf32, #tpu.memory_space<vmem>>, vector<16xf32>,
          %swap3A_545 = vector.shape_cast %swap3A_544 : vector<16xf32> to vector<16xf32>
          %swap3A_546 = vector.shape_cast %add3A_409 : vector<16xf32> to vector<16xf32>
          tpu.vector_store %arg10[%swap3A_543], %swap3A_546 {strides = array<i32>} : memref<128xf32, #tpu.memory_space<vmem>>, vector<16xf32>,
          %swap3A_547 = arith.constant 96 : index
          %swap3A_548 = tpu.vector_load %arg10[%swap3A_547] {strides = array<i32>} : memref<128xf32, #tpu.memory_space<vmem>>, vector<16xf32>,
          %swap3A_549 = vector.shape_cast %swap3A_548 : vector<16xf32> to vector<16xf32>
          %swap3A_550 = vector.shape_cast %add3A_417 : vector<16xf32> to vector<16xf32>
          tpu.vector_store %arg10[%swap3A_547], %swap3A_550 {strides = array<i32>} : memref<128xf32, #tpu.memory_space<vmem>>, vector<16xf32>,
          %swap3A_551 = arith.constant 112 : index
          %swap3A_552 = tpu.vector_load %arg10[%swap3A_551] {strides = array<i32>} : memref<128xf32, #tpu.memory_space<vmem>>, vector<16xf32>,
          %swap3A_553 = vector.shape_cast %swap3A_552 : vector<16xf32> to vector<16xf32>
          %swap3A_554 = vector.shape_cast %add3A_425 : vector<16xf32> to vector<16xf32>
          tpu.vector_store %arg10[%swap3A_551], %swap3A_554 {strides = array<i32>} : memref<128xf32, #tpu.memory_space<vmem>>, vector<16xf32>,
          %convert_element_type3A_555 = arith.sitofp %squeeze3A : i32 to f32
          %eq3A_556 = arith.constant 0 : i32
          %eq3A_557 = vector.broadcast %eq3A_556 : i32 to vector<16xi32>
          %eq3A_558 = arith.cmpi eq, %iota3A, %eq3A_557 : vector<16xi32>
          %broadcast_in_dim3A_559 = vector.broadcast %convert_element_type3A_555 : f32 to vector<16xf32>
          %select_n3A_560 = arith.select %eq3A_558, %broadcast_in_dim3A_559, %broadcast_in_dim3A_32 : vector<16xi1>, vector<16xf32>
          %eq3A_561 = arith.constant 1 : i32
          %eq3A_562 = vector.broadcast %eq3A_561 : i32 to vector<16xi32>
          %eq3A_563 = arith.cmpi eq, %iota3A, %eq3A_562 : vector<16xi32>
          %broadcast_in_dim3A_564 = vector.broadcast %add3A_361 : f32 to vector<16xf32>
          %select_n3A_565 = arith.select %eq3A_563, %broadcast_in_dim3A_564, %broadcast_in_dim3A_32 : vector<16xi1>, vector<16xf32>
          %add3A_566 = arith.addf %select_n3A_560, %select_n3A_565 : vector<16xf32>
          %swap3A_567 = arith.constant 0 : index
          %swap3A_568 = tpu.vector_load %arg11[%swap3A_567] {strides = array<i32>} : memref<16xf32, #tpu.memory_space<vmem>>, vector<16xf32>,
          %swap3A_569 = vector.shape_cast %swap3A_568 : vector<16xf32> to vector<16xf32>
          %swap3A_570 = vector.shape_cast %add3A_566 : vector<16xf32> to vector<16xf32>
          tpu.vector_store %arg11[%swap3A_567], %swap3A_570 {strides = array<i32>} : memref<16xf32, #tpu.memory_space<vmem>>, vector<16xf32>,
        } else {
        }
        %convert_element_type3A_449 = arith.extui %and3A_445 : i1 to i32
        %cond3A_450 = arith.constant 0 : i32
        %cond3A_451 = arith.cmpi ne, %convert_element_type3A_449, %cond3A_450 : i32
        scf.if %cond3A_451 {
          %mul3A_523 = arith.mulf %add3A_369, %add3A_369 : vector<16xf32>
          %mul3A_524 = arith.mulf %add3A_377, %add3A_377 : vector<16xf32>
          %add3A_525 = arith.addf %mul3A_523, %mul3A_524 : vector<16xf32>
          %mul3A_526 = arith.mulf %add3A_385, %add3A_385 : vector<16xf32>
          %add3A_527 = arith.addf %add3A_525, %mul3A_526 : vector<16xf32>
          %mul3A_528 = arith.mulf %add3A_393, %add3A_393 : vector<16xf32>
          %add3A_529 = arith.addf %add3A_527, %mul3A_528 : vector<16xf32>
          %mul3A_530 = arith.mulf %add3A_401, %add3A_401 : vector<16xf32>
          %add3A_531 = arith.addf %add3A_529, %mul3A_530 : vector<16xf32>
          %mul3A_532 = arith.mulf %add3A_409, %add3A_409 : vector<16xf32>
          %add3A_533 = arith.addf %add3A_531, %mul3A_532 : vector<16xf32>
          %mul3A_534 = arith.mulf %add3A_417, %add3A_417 : vector<16xf32>
          %add3A_535 = arith.addf %add3A_533, %mul3A_534 : vector<16xf32>
          %mul3A_536 = arith.mulf %add3A_425, %add3A_425 : vector<16xf32>
          %add3A_537 = arith.addf %add3A_535, %mul3A_536 : vector<16xf32>
          %add3A_538 = vector.broadcast %add3A_361 : f32 to vector<16xf32>
          %add3A_539 = arith.addf %broadcast_in_dim3A_32, %add3A_538 : vector<16xf32>
          %max3A = arith.constant 1.000000e+00 : f32
          %max3A_540 = vector.broadcast %max3A : f32 to vector<16xf32>
          %max3A_541 = arith.maximumf %add3A_539, %max3A_540 : vector<16xf32>
          %div3A = arith.constant 1.000000e+00 : f32
          %div3A_542 = vector.broadcast %div3A : f32 to vector<16xf32>
          %div3A_543 = arith.divf %div3A_542, %max3A_541 : vector<16xf32>
          %get3A_544 = arith.constant 0 : index
          %get3A_545 = tpu.vector_load %arg12[%get3A_544] {strides = array<i32>} : memref<16xf32, #tpu.memory_space<vmem>>, vector<16xf32>,
          %get3A_546 = vector.shape_cast %get3A_545 : vector<16xf32> to vector<16xf32>
          %mul3A_547 = arith.mulf %add3A_537, %div3A_543 : vector<16xf32>
          %add3A_548 = arith.addf %get3A_546, %mul3A_547 : vector<16xf32>
          %swap3A_549 = arith.constant 0 : index
          %swap3A_550 = tpu.vector_load %arg12[%swap3A_549] {strides = array<i32>} : memref<16xf32, #tpu.memory_space<vmem>>, vector<16xf32>,
          %swap3A_551 = vector.shape_cast %swap3A_550 : vector<16xf32> to vector<16xf32>
          %swap3A_552 = vector.shape_cast %add3A_548 : vector<16xf32> to vector<16xf32>
          tpu.vector_store %arg12[%swap3A_549], %swap3A_552 {strides = array<i32>} : memref<16xf32, #tpu.memory_space<vmem>>, vector<16xf32>,
        } else {
        }
        %add3A_452 = arith.constant 1 : i32
        %add3A_453 = arith.addi %select_n3A_358, %add3A_452 : i32
        %select_n3A_454 = arith.select %and3A_439, %add3A_453, %select_n3A_358 : i32
        %jit3A_455 = arith.constant 0.000000e+00 : f32
        %select_n3A_456 = arith.select %and3A_439, %jit3A_455, %add3A_361 : f32
        %add3A_457 = arith.constant 1.000000e+00 : f32
        %add3A_458 = arith.addf %select_n3A_456, %add3A_457 : f32
        %get3A_459 = arith.constant 1 : i32
        %get3A_460 = arith.index_cast %get3A_459 : i32 to index
        %get3A_461 = arith.index_cast %add3A_429 : i32 to index
        %get3A_462 = arith.constant 0 : index
        %get3A_463 = tpu.vector_load %arg7[%get3A_460, %get3A_461, %get3A_462] {strides = array<i32>} : memref<2x200x128xf32, #tpu.memory_space<vmem>>, vector<1x1x16xf32>,
        %get3A_464 = vector.shape_cast %get3A_463 : vector<1x1x16xf32> to vector<16xf32>
        %select_n3A_465 = arith.select %and3A_439, %broadcast_in_dim3A_32, %add3A_369 : vector<16xf32>
        %add3A_466 = arith.addf %select_n3A_465, %get3A_464 : vector<16xf32>
        %get3A_467 = arith.constant 1 : i32
        %get3A_468 = arith.index_cast %get3A_467 : i32 to index
        %get3A_469 = arith.index_cast %add3A_429 : i32 to index
        %get3A_470 = arith.constant 16 : index
        %get3A_471 = tpu.vector_load %arg7[%get3A_468, %get3A_469, %get3A_470] {strides = array<i32>} : memref<2x200x128xf32, #tpu.memory_space<vmem>>, vector<1x1x16xf32>,
        %get3A_472 = vector.shape_cast %get3A_471 : vector<1x1x16xf32> to vector<16xf32>
        %select_n3A_473 = arith.select %and3A_439, %broadcast_in_dim3A_32, %add3A_377 : vector<16xf32>
        %add3A_474 = arith.addf %select_n3A_473, %get3A_472 : vector<16xf32>
        %get3A_475 = arith.constant 1 : i32
        %get3A_476 = arith.index_cast %get3A_475 : i32 to index
        %get3A_477 = arith.index_cast %add3A_429 : i32 to index
        %get3A_478 = arith.constant 32 : index
        %get3A_479 = tpu.vector_load %arg7[%get3A_476, %get3A_477, %get3A_478] {strides = array<i32>} : memref<2x200x128xf32, #tpu.memory_space<vmem>>, vector<1x1x16xf32>,
        %get3A_480 = vector.shape_cast %get3A_479 : vector<1x1x16xf32> to vector<16xf32>
        %select_n3A_481 = arith.select %and3A_439, %broadcast_in_dim3A_32, %add3A_385 : vector<16xf32>
        %add3A_482 = arith.addf %select_n3A_481, %get3A_480 : vector<16xf32>
        %get3A_483 = arith.constant 1 : i32
        %get3A_484 = arith.index_cast %get3A_483 : i32 to index
        %get3A_485 = arith.index_cast %add3A_429 : i32 to index
        %get3A_486 = arith.constant 48 : index
        %get3A_487 = tpu.vector_load %arg7[%get3A_484, %get3A_485, %get3A_486] {strides = array<i32>} : memref<2x200x128xf32, #tpu.memory_space<vmem>>, vector<1x1x16xf32>,
        %get3A_488 = vector.shape_cast %get3A_487 : vector<1x1x16xf32> to vector<16xf32>
        %select_n3A_489 = arith.select %and3A_439, %broadcast_in_dim3A_32, %add3A_393 : vector<16xf32>
        %add3A_490 = arith.addf %select_n3A_489, %get3A_488 : vector<16xf32>
        %get3A_491 = arith.constant 1 : i32
        %get3A_492 = arith.index_cast %get3A_491 : i32 to index
        %get3A_493 = arith.index_cast %add3A_429 : i32 to index
        %get3A_494 = arith.constant 64 : index
        %get3A_495 = tpu.vector_load %arg7[%get3A_492, %get3A_493, %get3A_494] {strides = array<i32>} : memref<2x200x128xf32, #tpu.memory_space<vmem>>, vector<1x1x16xf32>,
        %get3A_496 = vector.shape_cast %get3A_495 : vector<1x1x16xf32> to vector<16xf32>
        %select_n3A_497 = arith.select %and3A_439, %broadcast_in_dim3A_32, %add3A_401 : vector<16xf32>
        %add3A_498 = arith.addf %select_n3A_497, %get3A_496 : vector<16xf32>
        %get3A_499 = arith.constant 1 : i32
        %get3A_500 = arith.index_cast %get3A_499 : i32 to index
        %get3A_501 = arith.index_cast %add3A_429 : i32 to index
        %get3A_502 = arith.constant 80 : index
        %get3A_503 = tpu.vector_load %arg7[%get3A_500, %get3A_501, %get3A_502] {strides = array<i32>} : memref<2x200x128xf32, #tpu.memory_space<vmem>>, vector<1x1x16xf32>,
        %get3A_504 = vector.shape_cast %get3A_503 : vector<1x1x16xf32> to vector<16xf32>
        %select_n3A_505 = arith.select %and3A_439, %broadcast_in_dim3A_32, %add3A_409 : vector<16xf32>
        %add3A_506 = arith.addf %select_n3A_505, %get3A_504 : vector<16xf32>
        %get3A_507 = arith.constant 1 : i32
        %get3A_508 = arith.index_cast %get3A_507 : i32 to index
        %get3A_509 = arith.index_cast %add3A_429 : i32 to index
        %get3A_510 = arith.constant 96 : index
        %get3A_511 = tpu.vector_load %arg7[%get3A_508, %get3A_509, %get3A_510] {strides = array<i32>} : memref<2x200x128xf32, #tpu.memory_space<vmem>>, vector<1x1x16xf32>,
        %get3A_512 = vector.shape_cast %get3A_511 : vector<1x1x16xf32> to vector<16xf32>
        %select_n3A_513 = arith.select %and3A_439, %broadcast_in_dim3A_32, %add3A_417 : vector<16xf32>
        %add3A_514 = arith.addf %select_n3A_513, %get3A_512 : vector<16xf32>
        %get3A_515 = arith.constant 1 : i32
        %get3A_516 = arith.index_cast %get3A_515 : i32 to index
        %get3A_517 = arith.index_cast %add3A_429 : i32 to index
        %get3A_518 = arith.constant 112 : index
        %get3A_519 = tpu.vector_load %arg7[%get3A_516, %get3A_517, %get3A_518] {strides = array<i32>} : memref<2x200x128xf32, #tpu.memory_space<vmem>>, vector<1x1x16xf32>,
        %get3A_520 = vector.shape_cast %get3A_519 : vector<1x1x16xf32> to vector<16xf32>
        %select_n3A_521 = arith.select %and3A_439, %broadcast_in_dim3A_32, %add3A_425 : vector<16xf32>
        %add3A_522 = arith.addf %select_n3A_521, %get3A_520 : vector<16xf32>
        scf.yield %add3A_466, %add3A_474, %add3A_482, %add3A_490, %add3A_498, %add3A_506, %add3A_514, %add3A_522, %add3A_458, %select_n3A_454, %squeeze3A_435 : vector<16xf32>, vector<16xf32>, vector<16xf32>, vector<16xf32>, vector<16xf32>, vector<16xf32>, vector<16xf32>, vector<16xf32>, f32, i32, i32
      }
      %scan3A_317 = arith.constant 100 : i32
      %add3A_318 = arith.constant 2 : i32
      %add3A_319 = arith.addi %add3A_293, %add3A_318 : i32
      %lt3A_320 = arith.constant 50 : i32
      %lt3A_321 = arith.cmpi slt, %add3A_319, %lt3A_320 : i32
      %convert_element_type3A_322 = arith.extui %lt3A_321 : i1 to i32
      %cond3A_323 = arith.constant 0 : i32
      %cond3A_324 = arith.cmpi ne, %convert_element_type3A_322, %cond3A_323 : i32
      scf.if %cond3A_324 {
        %add3A_325 = arith.constant 2 : i32
        %add3A_326 = arith.addi %add3A_293, %add3A_325 : i32
        %mul3A_327 = arith.constant 200 : i32
        %mul3A_328 = arith.muli %add3A_326, %mul3A_327 : i32
        %add3A_329 = arith.addi %mul3A_2, %mul3A_328 : i32
        %dma_start3A_330 = arith.constant 1 : i32
        %dma_start3A_331 = arith.constant 0 : i32
        %dma_start3A_332 = arith.constant 0 : i32
        %dma_start3A_333 = tpu.memref_slice %arg7[%dma_start3A_330, %dma_start3A_331, %dma_start3A_332] : memref<2x200x128xf32, #tpu.memory_space<vmem>> -> memref<1x200x128xf32, #tpu.memory_space<vmem>>
        %dma_start3A_334 = tpu.memref_squeeze %dma_start3A_333 : memref<1x200x128xf32, #tpu.memory_space<vmem>> -> memref<200x128xf32, #tpu.memory_space<vmem>>
        %dma_start3A_335 = arith.constant 0 : i32
        %dma_start3A_336 = tpu.memref_slice %arg2[%add3A_329, %dma_start3A_335] : memref<320000x128xf32, #tpu.memory_space<hbm>> -> memref<200x128xf32, #tpu.memory_space<hbm>>
        %dma_start3A_337 = arith.constant 0 : i32
        %dma_start3A_338 = arith.constant 0 : i32
        %dma_start3A_339 = tpu.memref_slice %arg7[%dma_start3A_330, %dma_start3A_337, %dma_start3A_338] : memref<2x200x128xf32, #tpu.memory_space<vmem>> -> memref<1x200x128xf32, #tpu.memory_space<vmem>>
        %dma_start3A_340 = tpu.memref_squeeze %dma_start3A_339 : memref<1x200x128xf32, #tpu.memory_space<vmem>> -> memref<200x128xf32, #tpu.memory_space<vmem>>
        %dma_start3A_341 = arith.constant 0 : i32
        %dma_start3A_342 = tpu.memref_slice %arg2[%add3A_329, %dma_start3A_341] : memref<320000x128xf32, #tpu.memory_space<hbm>> -> memref<200x128xf32, #tpu.memory_space<hbm>>
        tpu.enqueue_dma source(%dma_start3A_342 : memref<200x128xf32, #tpu.memory_space<hbm>>) target(%dma_start3A_340 : memref<200x128xf32, #tpu.memory_space<vmem>>) target_semaphore(%arg14 : memref<!tpu.dma_semaphore, #tpu.memory_space<semaphore_mem>>)
      } else {
      }
      scf.yield %scan3A_316#0, %scan3A_316#1, %scan3A_316#2, %scan3A_316#3, %scan3A_316#4, %scan3A_316#5, %scan3A_316#6, %scan3A_316#7, %scan3A_316#8, %scan3A_316#9, %scan3A_316#10 : vector<16xf32>, vector<16xf32>, vector<16xf32>, vector<16xf32>, vector<16xf32>, vector<16xf32>, vector<16xf32>, vector<16xf32>, f32, i32, i32
    }
    %scan3A_79 = arith.constant 25 : i32
    %convert_element_type3A = arith.sitofp %scan3A_78#10 : i32 to f32
    %get3A = arith.constant 0 : index
    %get3A_80 = tpu.vector_load %arg10[%get3A] {strides = array<i32>} : memref<128xf32, #tpu.memory_space<vmem>>, vector<16xf32>,
    %get3A_81 = vector.shape_cast %get3A_80 : vector<16xf32> to vector<16xf32>
    %swap3A_82 = arith.constant 0 : i32
    %swap3A_83 = arith.index_cast %swap3A_82 : i32 to index
    %swap3A_84 = arith.constant 0 : index
    %swap3A_85 = tpu.vector_load %arg8[%swap3A_83, %swap3A_84] {strides = array<i32>} : memref<2x128xf32, #tpu.memory_space<vmem>>, vector<1x16xf32>,
    %swap3A_86 = vector.shape_cast %swap3A_85 : vector<1x16xf32> to vector<16xf32>
    %swap3A_87 = vector.shape_cast %get3A_81 : vector<16xf32> to vector<1x16xf32>
    tpu.vector_store %arg8[%swap3A_83, %swap3A_84], %swap3A_87 {strides = array<i32>} : memref<2x128xf32, #tpu.memory_space<vmem>>, vector<1x16xf32>,
    %swap3A_88 = arith.constant 1 : i32
    %swap3A_89 = arith.index_cast %swap3A_88 : i32 to index
    %swap3A_90 = arith.constant 0 : index
    %swap3A_91 = tpu.vector_load %arg8[%swap3A_89, %swap3A_90] {strides = array<i32>} : memref<2x128xf32, #tpu.memory_space<vmem>>, vector<1x16xf32>,
    %swap3A_92 = vector.shape_cast %swap3A_91 : vector<1x16xf32> to vector<16xf32>
    %swap3A_93 = vector.shape_cast %scan3A_78#0 : vector<16xf32> to vector<1x16xf32>
    tpu.vector_store %arg8[%swap3A_89, %swap3A_90], %swap3A_93 {strides = array<i32>} : memref<2x128xf32, #tpu.memory_space<vmem>>, vector<1x16xf32>,
    %get3A_94 = arith.constant 16 : index
    %get3A_95 = tpu.vector_load %arg10[%get3A_94] {strides = array<i32>} : memref<128xf32, #tpu.memory_space<vmem>>, vector<16xf32>,
    %get3A_96 = vector.shape_cast %get3A_95 : vector<16xf32> to vector<16xf32>
    %swap3A_97 = arith.constant 0 : i32
    %swap3A_98 = arith.index_cast %swap3A_97 : i32 to index
    %swap3A_99 = arith.constant 16 : index
    %swap3A_100 = tpu.vector_load %arg8[%swap3A_98, %swap3A_99] {strides = array<i32>} : memref<2x128xf32, #tpu.memory_space<vmem>>, vector<1x16xf32>,
    %swap3A_101 = vector.shape_cast %swap3A_100 : vector<1x16xf32> to vector<16xf32>
    %swap3A_102 = vector.shape_cast %get3A_96 : vector<16xf32> to vector<1x16xf32>
    tpu.vector_store %arg8[%swap3A_98, %swap3A_99], %swap3A_102 {strides = array<i32>} : memref<2x128xf32, #tpu.memory_space<vmem>>, vector<1x16xf32>,
    %swap3A_103 = arith.constant 1 : i32
    %swap3A_104 = arith.index_cast %swap3A_103 : i32 to index
    %swap3A_105 = arith.constant 16 : index
    %swap3A_106 = tpu.vector_load %arg8[%swap3A_104, %swap3A_105] {strides = array<i32>} : memref<2x128xf32, #tpu.memory_space<vmem>>, vector<1x16xf32>,
    %swap3A_107 = vector.shape_cast %swap3A_106 : vector<1x16xf32> to vector<16xf32>
    %swap3A_108 = vector.shape_cast %scan3A_78#1 : vector<16xf32> to vector<1x16xf32>
    tpu.vector_store %arg8[%swap3A_104, %swap3A_105], %swap3A_108 {strides = array<i32>} : memref<2x128xf32, #tpu.memory_space<vmem>>, vector<1x16xf32>,
    %get3A_109 = arith.constant 32 : index
    %get3A_110 = tpu.vector_load %arg10[%get3A_109] {strides = array<i32>} : memref<128xf32, #tpu.memory_space<vmem>>, vector<16xf32>,
    %get3A_111 = vector.shape_cast %get3A_110 : vector<16xf32> to vector<16xf32>
    %swap3A_112 = arith.constant 0 : i32
    %swap3A_113 = arith.index_cast %swap3A_112 : i32 to index
    %swap3A_114 = arith.constant 32 : index
    %swap3A_115 = tpu.vector_load %arg8[%swap3A_113, %swap3A_114] {strides = array<i32>} : memref<2x128xf32, #tpu.memory_space<vmem>>, vector<1x16xf32>,
    %swap3A_116 = vector.shape_cast %swap3A_115 : vector<1x16xf32> to vector<16xf32>
    %swap3A_117 = vector.shape_cast %get3A_111 : vector<16xf32> to vector<1x16xf32>
    tpu.vector_store %arg8[%swap3A_113, %swap3A_114], %swap3A_117 {strides = array<i32>} : memref<2x128xf32, #tpu.memory_space<vmem>>, vector<1x16xf32>,
    %swap3A_118 = arith.constant 1 : i32
    %swap3A_119 = arith.index_cast %swap3A_118 : i32 to index
    %swap3A_120 = arith.constant 32 : index
    %swap3A_121 = tpu.vector_load %arg8[%swap3A_119, %swap3A_120] {strides = array<i32>} : memref<2x128xf32, #tpu.memory_space<vmem>>, vector<1x16xf32>,
    %swap3A_122 = vector.shape_cast %swap3A_121 : vector<1x16xf32> to vector<16xf32>
    %swap3A_123 = vector.shape_cast %scan3A_78#2 : vector<16xf32> to vector<1x16xf32>
    tpu.vector_store %arg8[%swap3A_119, %swap3A_120], %swap3A_123 {strides = array<i32>} : memref<2x128xf32, #tpu.memory_space<vmem>>, vector<1x16xf32>,
    %get3A_124 = arith.constant 48 : index
    %get3A_125 = tpu.vector_load %arg10[%get3A_124] {strides = array<i32>} : memref<128xf32, #tpu.memory_space<vmem>>, vector<16xf32>,
    %get3A_126 = vector.shape_cast %get3A_125 : vector<16xf32> to vector<16xf32>
    %swap3A_127 = arith.constant 0 : i32
    %swap3A_128 = arith.index_cast %swap3A_127 : i32 to index
    %swap3A_129 = arith.constant 48 : index
    %swap3A_130 = tpu.vector_load %arg8[%swap3A_128, %swap3A_129] {strides = array<i32>} : memref<2x128xf32, #tpu.memory_space<vmem>>, vector<1x16xf32>,
    %swap3A_131 = vector.shape_cast %swap3A_130 : vector<1x16xf32> to vector<16xf32>
    %swap3A_132 = vector.shape_cast %get3A_126 : vector<16xf32> to vector<1x16xf32>
    tpu.vector_store %arg8[%swap3A_128, %swap3A_129], %swap3A_132 {strides = array<i32>} : memref<2x128xf32, #tpu.memory_space<vmem>>, vector<1x16xf32>,
    %swap3A_133 = arith.constant 1 : i32
    %swap3A_134 = arith.index_cast %swap3A_133 : i32 to index
    %swap3A_135 = arith.constant 48 : index
    %swap3A_136 = tpu.vector_load %arg8[%swap3A_134, %swap3A_135] {strides = array<i32>} : memref<2x128xf32, #tpu.memory_space<vmem>>, vector<1x16xf32>,
    %swap3A_137 = vector.shape_cast %swap3A_136 : vector<1x16xf32> to vector<16xf32>
    %swap3A_138 = vector.shape_cast %scan3A_78#3 : vector<16xf32> to vector<1x16xf32>
    tpu.vector_store %arg8[%swap3A_134, %swap3A_135], %swap3A_138 {strides = array<i32>} : memref<2x128xf32, #tpu.memory_space<vmem>>, vector<1x16xf32>,
    %get3A_139 = arith.constant 64 : index
    %get3A_140 = tpu.vector_load %arg10[%get3A_139] {strides = array<i32>} : memref<128xf32, #tpu.memory_space<vmem>>, vector<16xf32>,
    %get3A_141 = vector.shape_cast %get3A_140 : vector<16xf32> to vector<16xf32>
    %swap3A_142 = arith.constant 0 : i32
    %swap3A_143 = arith.index_cast %swap3A_142 : i32 to index
    %swap3A_144 = arith.constant 64 : index
    %swap3A_145 = tpu.vector_load %arg8[%swap3A_143, %swap3A_144] {strides = array<i32>} : memref<2x128xf32, #tpu.memory_space<vmem>>, vector<1x16xf32>,
    %swap3A_146 = vector.shape_cast %swap3A_145 : vector<1x16xf32> to vector<16xf32>
    %swap3A_147 = vector.shape_cast %get3A_141 : vector<16xf32> to vector<1x16xf32>
    tpu.vector_store %arg8[%swap3A_143, %swap3A_144], %swap3A_147 {strides = array<i32>} : memref<2x128xf32, #tpu.memory_space<vmem>>, vector<1x16xf32>,
    %swap3A_148 = arith.constant 1 : i32
    %swap3A_149 = arith.index_cast %swap3A_148 : i32 to index
    %swap3A_150 = arith.constant 64 : index
    %swap3A_151 = tpu.vector_load %arg8[%swap3A_149, %swap3A_150] {strides = array<i32>} : memref<2x128xf32, #tpu.memory_space<vmem>>, vector<1x16xf32>,
    %swap3A_152 = vector.shape_cast %swap3A_151 : vector<1x16xf32> to vector<16xf32>
    %swap3A_153 = vector.shape_cast %scan3A_78#4 : vector<16xf32> to vector<1x16xf32>
    tpu.vector_store %arg8[%swap3A_149, %swap3A_150], %swap3A_153 {strides = array<i32>} : memref<2x128xf32, #tpu.memory_space<vmem>>, vector<1x16xf32>,
    %get3A_154 = arith.constant 80 : index
    %get3A_155 = tpu.vector_load %arg10[%get3A_154] {strides = array<i32>} : memref<128xf32, #tpu.memory_space<vmem>>, vector<16xf32>,
    %get3A_156 = vector.shape_cast %get3A_155 : vector<16xf32> to vector<16xf32>
    %swap3A_157 = arith.constant 0 : i32
    %swap3A_158 = arith.index_cast %swap3A_157 : i32 to index
    %swap3A_159 = arith.constant 80 : index
    %swap3A_160 = tpu.vector_load %arg8[%swap3A_158, %swap3A_159] {strides = array<i32>} : memref<2x128xf32, #tpu.memory_space<vmem>>, vector<1x16xf32>,
    %swap3A_161 = vector.shape_cast %swap3A_160 : vector<1x16xf32> to vector<16xf32>
    %swap3A_162 = vector.shape_cast %get3A_156 : vector<16xf32> to vector<1x16xf32>
    tpu.vector_store %arg8[%swap3A_158, %swap3A_159], %swap3A_162 {strides = array<i32>} : memref<2x128xf32, #tpu.memory_space<vmem>>, vector<1x16xf32>,
    %swap3A_163 = arith.constant 1 : i32
    %swap3A_164 = arith.index_cast %swap3A_163 : i32 to index
    %swap3A_165 = arith.constant 80 : index
    %swap3A_166 = tpu.vector_load %arg8[%swap3A_164, %swap3A_165] {strides = array<i32>} : memref<2x128xf32, #tpu.memory_space<vmem>>, vector<1x16xf32>,
    %swap3A_167 = vector.shape_cast %swap3A_166 : vector<1x16xf32> to vector<16xf32>
    %swap3A_168 = vector.shape_cast %scan3A_78#5 : vector<16xf32> to vector<1x16xf32>
    tpu.vector_store %arg8[%swap3A_164, %swap3A_165], %swap3A_168 {strides = array<i32>} : memref<2x128xf32, #tpu.memory_space<vmem>>, vector<1x16xf32>,
    %get3A_169 = arith.constant 96 : index
    %get3A_170 = tpu.vector_load %arg10[%get3A_169] {strides = array<i32>} : memref<128xf32, #tpu.memory_space<vmem>>, vector<16xf32>,
    %get3A_171 = vector.shape_cast %get3A_170 : vector<16xf32> to vector<16xf32>
    %swap3A_172 = arith.constant 0 : i32
    %swap3A_173 = arith.index_cast %swap3A_172 : i32 to index
    %swap3A_174 = arith.constant 96 : index
    %swap3A_175 = tpu.vector_load %arg8[%swap3A_173, %swap3A_174] {strides = array<i32>} : memref<2x128xf32, #tpu.memory_space<vmem>>, vector<1x16xf32>,
    %swap3A_176 = vector.shape_cast %swap3A_175 : vector<1x16xf32> to vector<16xf32>
    %swap3A_177 = vector.shape_cast %get3A_171 : vector<16xf32> to vector<1x16xf32>
    tpu.vector_store %arg8[%swap3A_173, %swap3A_174], %swap3A_177 {strides = array<i32>} : memref<2x128xf32, #tpu.memory_space<vmem>>, vector<1x16xf32>,
    %swap3A_178 = arith.constant 1 : i32
    %swap3A_179 = arith.index_cast %swap3A_178 : i32 to index
    %swap3A_180 = arith.constant 96 : index
    %swap3A_181 = tpu.vector_load %arg8[%swap3A_179, %swap3A_180] {strides = array<i32>} : memref<2x128xf32, #tpu.memory_space<vmem>>, vector<1x16xf32>,
    %swap3A_182 = vector.shape_cast %swap3A_181 : vector<1x16xf32> to vector<16xf32>
    %swap3A_183 = vector.shape_cast %scan3A_78#6 : vector<16xf32> to vector<1x16xf32>
    tpu.vector_store %arg8[%swap3A_179, %swap3A_180], %swap3A_183 {strides = array<i32>} : memref<2x128xf32, #tpu.memory_space<vmem>>, vector<1x16xf32>,
    %get3A_184 = arith.constant 112 : index
    %get3A_185 = tpu.vector_load %arg10[%get3A_184] {strides = array<i32>} : memref<128xf32, #tpu.memory_space<vmem>>, vector<16xf32>,
    %get3A_186 = vector.shape_cast %get3A_185 : vector<16xf32> to vector<16xf32>
    %swap3A_187 = arith.constant 0 : i32
    %swap3A_188 = arith.index_cast %swap3A_187 : i32 to index
    %swap3A_189 = arith.constant 112 : index
    %swap3A_190 = tpu.vector_load %arg8[%swap3A_188, %swap3A_189] {strides = array<i32>} : memref<2x128xf32, #tpu.memory_space<vmem>>, vector<1x16xf32>,
    %swap3A_191 = vector.shape_cast %swap3A_190 : vector<1x16xf32> to vector<16xf32>
    %swap3A_192 = vector.shape_cast %get3A_186 : vector<16xf32> to vector<1x16xf32>
    tpu.vector_store %arg8[%swap3A_188, %swap3A_189], %swap3A_192 {strides = array<i32>} : memref<2x128xf32, #tpu.memory_space<vmem>>, vector<1x16xf32>,
    %swap3A_193 = arith.constant 1 : i32
    %swap3A_194 = arith.index_cast %swap3A_193 : i32 to index
    %swap3A_195 = arith.constant 112 : index
    %swap3A_196 = tpu.vector_load %arg8[%swap3A_194, %swap3A_195] {strides = array<i32>} : memref<2x128xf32, #tpu.memory_space<vmem>>, vector<1x16xf32>,
    %swap3A_197 = vector.shape_cast %swap3A_196 : vector<1x16xf32> to vector<16xf32>
    %swap3A_198 = vector.shape_cast %scan3A_78#7 : vector<16xf32> to vector<1x16xf32>
    tpu.vector_store %arg8[%swap3A_194, %swap3A_195], %swap3A_198 {strides = array<i32>} : memref<2x128xf32, #tpu.memory_space<vmem>>, vector<1x16xf32>,
    %eq3A = arith.constant 0 : i32
    %eq3A_199 = vector.broadcast %eq3A : i32 to vector<16xi32>
    %eq3A_200 = arith.cmpi eq, %iota3A, %eq3A_199 : vector<16xi32>
    %broadcast_in_dim3A_201 = vector.broadcast %convert_element_type3A : f32 to vector<16xf32>
    %select_n3A = arith.select %eq3A_200, %broadcast_in_dim3A_201, %broadcast_in_dim3A_32 : vector<16xi1>, vector<16xf32>
    %eq3A_202 = arith.constant 1 : i32
    %eq3A_203 = vector.broadcast %eq3A_202 : i32 to vector<16xi32>
    %eq3A_204 = arith.cmpi eq, %iota3A, %eq3A_203 : vector<16xi32>
    %broadcast_in_dim3A_205 = vector.broadcast %scan3A_78#8 : f32 to vector<16xf32>
    %select_n3A_206 = arith.select %eq3A_204, %broadcast_in_dim3A_205, %broadcast_in_dim3A_32 : vector<16xi1>, vector<16xf32>
    %add3A_207 = arith.addf %select_n3A, %select_n3A_206 : vector<16xf32>
    %get3A_208 = arith.constant 0 : index
    %get3A_209 = tpu.vector_load %arg11[%get3A_208] {strides = array<i32>} : memref<16xf32, #tpu.memory_space<vmem>>, vector<16xf32>,
    %get3A_210 = vector.shape_cast %get3A_209 : vector<16xf32> to vector<16xf32>
    %swap3A_211 = arith.constant 0 : i32
    %swap3A_212 = arith.index_cast %swap3A_211 : i32 to index
    %swap3A_213 = arith.constant 0 : index
    %swap3A_214 = tpu.vector_load %arg9[%swap3A_212, %swap3A_213] {strides = array<i32>} : memref<4x16xf32, #tpu.memory_space<vmem>>, vector<1x16xf32>,
    %swap3A_215 = vector.shape_cast %swap3A_214 : vector<1x16xf32> to vector<16xf32>
    %swap3A_216 = vector.shape_cast %get3A_210 : vector<16xf32> to vector<1x16xf32>
    tpu.vector_store %arg9[%swap3A_212, %swap3A_213], %swap3A_216 {strides = array<i32>} : memref<4x16xf32, #tpu.memory_space<vmem>>, vector<1x16xf32>,
    %swap3A_217 = arith.constant 1 : i32
    %swap3A_218 = arith.index_cast %swap3A_217 : i32 to index
    %swap3A_219 = arith.constant 0 : index
    %swap3A_220 = tpu.vector_load %arg9[%swap3A_218, %swap3A_219] {strides = array<i32>} : memref<4x16xf32, #tpu.memory_space<vmem>>, vector<1x16xf32>,
    %swap3A_221 = vector.shape_cast %swap3A_220 : vector<1x16xf32> to vector<16xf32>
    %swap3A_222 = vector.shape_cast %add3A_207 : vector<16xf32> to vector<1x16xf32>
    tpu.vector_store %arg9[%swap3A_218, %swap3A_219], %swap3A_222 {strides = array<i32>} : memref<4x16xf32, #tpu.memory_space<vmem>>, vector<1x16xf32>,
    %swap3A_223 = arith.constant 2 : i32
    %swap3A_224 = arith.index_cast %swap3A_223 : i32 to index
    %swap3A_225 = arith.constant 0 : index
    %swap3A_226 = tpu.vector_load %arg9[%swap3A_224, %swap3A_225] {strides = array<i32>} : memref<4x16xf32, #tpu.memory_space<vmem>>, vector<1x16xf32>,
    %swap3A_227 = vector.shape_cast %swap3A_226 : vector<1x16xf32> to vector<16xf32>
    %swap3A_228 = vector.shape_cast %broadcast_in_dim3A_32 : vector<16xf32> to vector<1x16xf32>
    tpu.vector_store %arg9[%swap3A_224, %swap3A_225], %swap3A_228 {strides = array<i32>} : memref<4x16xf32, #tpu.memory_space<vmem>>, vector<1x16xf32>,
    %get3A_229 = arith.constant 0 : index
    %get3A_230 = tpu.vector_load %arg12[%get3A_229] {strides = array<i32>} : memref<16xf32, #tpu.memory_space<vmem>>, vector<16xf32>,
    %get3A_231 = vector.shape_cast %get3A_230 : vector<16xf32> to vector<16xf32>
    %swap3A_232 = arith.constant 3 : i32
    %swap3A_233 = arith.index_cast %swap3A_232 : i32 to index
    %swap3A_234 = arith.constant 0 : index
    %swap3A_235 = tpu.vector_load %arg9[%swap3A_233, %swap3A_234] {strides = array<i32>} : memref<4x16xf32, #tpu.memory_space<vmem>>, vector<1x16xf32>,
    %swap3A_236 = vector.shape_cast %swap3A_235 : vector<1x16xf32> to vector<16xf32>
    %swap3A_237 = vector.shape_cast %get3A_231 : vector<16xf32> to vector<1x16xf32>
    tpu.vector_store %arg9[%swap3A_233, %swap3A_234], %swap3A_237 {strides = array<i32>} : memref<4x16xf32, #tpu.memory_space<vmem>>, vector<1x16xf32>,
    %mul3A_238 = arith.constant 2 : i32
    %mul3A_239 = arith.muli %mul3A_238, %add3A : i32
    "tpu.region"() ({
      %run_scoped3A = tpu.sem_alloc : memref<!tpu.dma_semaphore, #tpu.memory_space<semaphore_mem>>
      %dma_start3A_246 = arith.constant 0 : i32
      %dma_start3A_247 = tpu.memref_slice %arg4[%mul3A_239, %dma_start3A_246] : memref<64x128xf32, #tpu.memory_space<hbm>> -> memref<2x128xf32, #tpu.memory_space<hbm>>
      %dma_start3A_248 = arith.constant 0 : i32
      %dma_start3A_249 = tpu.memref_slice %arg4[%mul3A_239, %dma_start3A_248] : memref<64x128xf32, #tpu.memory_space<hbm>> -> memref<2x128xf32, #tpu.memory_space<hbm>>
      tpu.enqueue_dma source(%arg8 : memref<2x128xf32, #tpu.memory_space<vmem>>) target(%dma_start3A_249 : memref<2x128xf32, #tpu.memory_space<hbm>>) target_semaphore(%run_scoped3A : memref<!tpu.dma_semaphore, #tpu.memory_space<semaphore_mem>>)
      %dma_wait3A = arith.constant 0 : i32
      %dma_wait3A_250 = tpu.memref_slice %arg4[%mul3A_239, %dma_wait3A] : memref<64x128xf32, #tpu.memory_space<hbm>> -> memref<2x128xf32, #tpu.memory_space<hbm>>
      %dma_wait3A_251 = arith.constant 0 : i32
      %dma_wait3A_252 = tpu.memref_slice %arg4[%mul3A_239, %dma_wait3A_251] : memref<64x128xf32, #tpu.memory_space<hbm>> -> memref<2x128xf32, #tpu.memory_space<hbm>>
      tpu.wait_dma2 semaphore(%run_scoped3A : memref<!tpu.dma_semaphore, #tpu.memory_space<semaphore_mem>>) src(%arg8 : memref<2x128xf32, #tpu.memory_space<vmem>>) dst(%dma_wait3A_252 : memref<2x128xf32, #tpu.memory_space<hbm>>)
      tpu.yield
    }) : () -> ()
    %mul3A_240 = arith.constant 2 : i32
    %mul3A_241 = arith.muli %mul3A_240, %add3A : i32
    "tpu.region"() ({
      %run_scoped3A = tpu.sem_alloc : memref<!tpu.dma_semaphore, #tpu.memory_space<semaphore_mem>>
      %dma_start3A_246 = arith.constant 0 : i32
      %dma_start3A_247 = arith.constant 0 : i32
      %dma_start3A_248 = tpu.memref_slice %arg9[%dma_start3A_246, %dma_start3A_247] : memref<4x16xf32, #tpu.memory_space<vmem>> -> memref<2x16xf32, #tpu.memory_space<vmem>>
      %dma_start3A_249 = arith.constant 0 : i32
      %dma_start3A_250 = tpu.memref_slice %arg5[%mul3A_241, %dma_start3A_249] : memref<128x16xf32, #tpu.memory_space<hbm>> -> memref<2x16xf32, #tpu.memory_space<hbm>>
      %dma_start3A_251 = arith.constant 0 : i32
      %dma_start3A_252 = tpu.memref_slice %arg5[%mul3A_241, %dma_start3A_251] : memref<128x16xf32, #tpu.memory_space<hbm>> -> memref<2x16xf32, #tpu.memory_space<hbm>>
      %dma_start3A_253 = arith.constant 0 : i32
      %dma_start3A_254 = arith.constant 0 : i32
      %dma_start3A_255 = tpu.memref_slice %arg9[%dma_start3A_253, %dma_start3A_254] : memref<4x16xf32, #tpu.memory_space<vmem>> -> memref<2x16xf32, #tpu.memory_space<vmem>>
      tpu.enqueue_dma source(%dma_start3A_255 : memref<2x16xf32, #tpu.memory_space<vmem>>) target(%dma_start3A_252 : memref<2x16xf32, #tpu.memory_space<hbm>>) target_semaphore(%run_scoped3A : memref<!tpu.dma_semaphore, #tpu.memory_space<semaphore_mem>>)
      %dma_wait3A = arith.constant 0 : i32
      %dma_wait3A_256 = arith.constant 0 : i32
      %dma_wait3A_257 = tpu.memref_slice %arg9[%dma_wait3A, %dma_wait3A_256] : memref<4x16xf32, #tpu.memory_space<vmem>> -> memref<2x16xf32, #tpu.memory_space<vmem>>
      %dma_wait3A_258 = arith.constant 0 : i32
      %dma_wait3A_259 = tpu.memref_slice %arg5[%mul3A_241, %dma_wait3A_258] : memref<128x16xf32, #tpu.memory_space<hbm>> -> memref<2x16xf32, #tpu.memory_space<hbm>>
      %dma_wait3A_260 = arith.constant 0 : i32
      %dma_wait3A_261 = tpu.memref_slice %arg5[%mul3A_241, %dma_wait3A_260] : memref<128x16xf32, #tpu.memory_space<hbm>> -> memref<2x16xf32, #tpu.memory_space<hbm>>
      %dma_wait3A_262 = arith.constant 0 : i32
      %dma_wait3A_263 = arith.constant 0 : i32
      %dma_wait3A_264 = tpu.memref_slice %arg9[%dma_wait3A_262, %dma_wait3A_263] : memref<4x16xf32, #tpu.memory_space<vmem>> -> memref<2x16xf32, #tpu.memory_space<vmem>>
      tpu.wait_dma2 semaphore(%run_scoped3A : memref<!tpu.dma_semaphore, #tpu.memory_space<semaphore_mem>>) src(%dma_wait3A_264 : memref<2x16xf32, #tpu.memory_space<vmem>>) dst(%dma_wait3A_261 : memref<2x16xf32, #tpu.memory_space<hbm>>)
      tpu.yield
    }) : () -> ()
    %add3A_242 = arith.constant 64 : i32
    %add3A_243 = arith.addi %add3A_242, %add3A : i32
    "tpu.region"() ({
      %run_scoped3A = tpu.sem_alloc : memref<!tpu.dma_semaphore, #tpu.memory_space<semaphore_mem>>
      %dma_start3A_246 = arith.constant 2 : i32
      %dma_start3A_247 = arith.constant 0 : i32
      %dma_start3A_248 = tpu.memref_slice %arg9[%dma_start3A_246, %dma_start3A_247] : memref<4x16xf32, #tpu.memory_space<vmem>> -> memref<1x16xf32, #tpu.memory_space<vmem>>
      %dma_start3A_249 = arith.constant 0 : i32
      %dma_start3A_250 = tpu.memref_slice %arg5[%add3A_243, %dma_start3A_249] : memref<128x16xf32, #tpu.memory_space<hbm>> -> memref<1x16xf32, #tpu.memory_space<hbm>>
      %dma_start3A_251 = arith.constant 0 : i32
      %dma_start3A_252 = tpu.memref_slice %arg5[%add3A_243, %dma_start3A_251] : memref<128x16xf32, #tpu.memory_space<hbm>> -> memref<1x16xf32, #tpu.memory_space<hbm>>
      %dma_start3A_253 = arith.constant 2 : i32
      %dma_start3A_254 = arith.constant 0 : i32
      %dma_start3A_255 = tpu.memref_slice %arg9[%dma_start3A_253, %dma_start3A_254] : memref<4x16xf32, #tpu.memory_space<vmem>> -> memref<1x16xf32, #tpu.memory_space<vmem>>
      tpu.enqueue_dma source(%dma_start3A_255 : memref<1x16xf32, #tpu.memory_space<vmem>>) target(%dma_start3A_252 : memref<1x16xf32, #tpu.memory_space<hbm>>) target_semaphore(%run_scoped3A : memref<!tpu.dma_semaphore, #tpu.memory_space<semaphore_mem>>)
      %dma_wait3A = arith.constant 2 : i32
      %dma_wait3A_256 = arith.constant 0 : i32
      %dma_wait3A_257 = tpu.memref_slice %arg9[%dma_wait3A, %dma_wait3A_256] : memref<4x16xf32, #tpu.memory_space<vmem>> -> memref<1x16xf32, #tpu.memory_space<vmem>>
      %dma_wait3A_258 = arith.constant 0 : i32
      %dma_wait3A_259 = tpu.memref_slice %arg5[%add3A_243, %dma_wait3A_258] : memref<128x16xf32, #tpu.memory_space<hbm>> -> memref<1x16xf32, #tpu.memory_space<hbm>>
      %dma_wait3A_260 = arith.constant 0 : i32
      %dma_wait3A_261 = tpu.memref_slice %arg5[%add3A_243, %dma_wait3A_260] : memref<128x16xf32, #tpu.memory_space<hbm>> -> memref<1x16xf32, #tpu.memory_space<hbm>>
      %dma_wait3A_262 = arith.constant 2 : i32
      %dma_wait3A_263 = arith.constant 0 : i32
      %dma_wait3A_264 = tpu.memref_slice %arg9[%dma_wait3A_262, %dma_wait3A_263] : memref<4x16xf32, #tpu.memory_space<vmem>> -> memref<1x16xf32, #tpu.memory_space<vmem>>
      tpu.wait_dma2 semaphore(%run_scoped3A : memref<!tpu.dma_semaphore, #tpu.memory_space<semaphore_mem>>) src(%dma_wait3A_264 : memref<1x16xf32, #tpu.memory_space<vmem>>) dst(%dma_wait3A_261 : memref<1x16xf32, #tpu.memory_space<hbm>>)
      tpu.yield
    }) : () -> ()
    %add3A_244 = arith.constant 96 : i32
    %add3A_245 = arith.addi %add3A_244, %add3A : i32
    "tpu.region"() ({
      %run_scoped3A = tpu.sem_alloc : memref<!tpu.dma_semaphore, #tpu.memory_space<semaphore_mem>>
      %dma_start3A_246 = arith.constant 3 : i32
      %dma_start3A_247 = arith.constant 0 : i32
      %dma_start3A_248 = tpu.memref_slice %arg9[%dma_start3A_246, %dma_start3A_247] : memref<4x16xf32, #tpu.memory_space<vmem>> -> memref<1x16xf32, #tpu.memory_space<vmem>>
      %dma_start3A_249 = arith.constant 0 : i32
      %dma_start3A_250 = tpu.memref_slice %arg5[%add3A_245, %dma_start3A_249] : memref<128x16xf32, #tpu.memory_space<hbm>> -> memref<1x16xf32, #tpu.memory_space<hbm>>
      %dma_start3A_251 = arith.constant 0 : i32
      %dma_start3A_252 = tpu.memref_slice %arg5[%add3A_245, %dma_start3A_251] : memref<128x16xf32, #tpu.memory_space<hbm>> -> memref<1x16xf32, #tpu.memory_space<hbm>>
      %dma_start3A_253 = arith.constant 3 : i32
      %dma_start3A_254 = arith.constant 0 : i32
      %dma_start3A_255 = tpu.memref_slice %arg9[%dma_start3A_253, %dma_start3A_254] : memref<4x16xf32, #tpu.memory_space<vmem>> -> memref<1x16xf32, #tpu.memory_space<vmem>>
      tpu.enqueue_dma source(%dma_start3A_255 : memref<1x16xf32, #tpu.memory_space<vmem>>) target(%dma_start3A_252 : memref<1x16xf32, #tpu.memory_space<hbm>>) target_semaphore(%run_scoped3A : memref<!tpu.dma_semaphore, #tpu.memory_space<semaphore_mem>>)
      %dma_wait3A = arith.constant 3 : i32
      %dma_wait3A_256 = arith.constant 0 : i32
      %dma_wait3A_257 = tpu.memref_slice %arg9[%dma_wait3A, %dma_wait3A_256] : memref<4x16xf32, #tpu.memory_space<vmem>> -> memref<1x16xf32, #tpu.memory_space<vmem>>
      %dma_wait3A_258 = arith.constant 0 : i32
      %dma_wait3A_259 = tpu.memref_slice %arg5[%add3A_245, %dma_wait3A_258] : memref<128x16xf32, #tpu.memory_space<hbm>> -> memref<1x16xf32, #tpu.memory_space<hbm>>
      %dma_wait3A_260 = arith.constant 0 : i32
      %dma_wait3A_261 = tpu.memref_slice %arg5[%add3A_245, %dma_wait3A_260] : memref<128x16xf32, #tpu.memory_space<hbm>> -> memref<1x16xf32, #tpu.memory_space<hbm>>
      %dma_wait3A_262 = arith.constant 3 : i32
      %dma_wait3A_263 = arith.constant 0 : i32
      %dma_wait3A_264 = tpu.memref_slice %arg9[%dma_wait3A_262, %dma_wait3A_263] : memref<4x16xf32, #tpu.memory_space<vmem>> -> memref<1x16xf32, #tpu.memory_space<vmem>>
      tpu.wait_dma2 semaphore(%run_scoped3A : memref<!tpu.dma_semaphore, #tpu.memory_space<semaphore_mem>>) src(%dma_wait3A_264 : memref<1x16xf32, #tpu.memory_space<vmem>>) dst(%dma_wait3A_261 : memref<1x16xf32, #tpu.memory_space<hbm>>)
      tpu.yield
    }) : () -> ()
    return
  }
}

module attributes {stable_mosaic.version = 14 : i64} {
  func.func @_tc_sumsq_body(%arg0: i32, %arg1: memref<6400x128xf32, #tpu.memory_space<vmem>>, %arg2: memref<1x1xf32, #tpu.memory_space<smem>>) attributes {dimension_semantics = [#tpu.dimension_semantics<arbitrary>], iteration_bounds = array<i64: 50>, scalar_prefetch = 0 : i64, scratch_operands = 0 : i64, tpu.core_type = #tpu.core_type<tc>, window_params = [{transform_indices = @transform_0, window_bounds = array<i64: 6400, 128>}, {transform_indices = @transform_1, window_bounds = array<i64: 1, 1>}]} {
    %eq3A = arith.constant 0 : i32
    %eq3A_0 = arith.cmpi eq, %arg0, %eq3A : i32
    %convert_element_type3A = arith.extui %eq3A_0 : i1 to i32
    %cond3A = arith.constant 0 : i32
    %cond3A_1 = arith.cmpi ne, %convert_element_type3A, %cond3A : i32
    scf.if %cond3A_1 {
      %swap3A_13 = arith.constant 0.000000e+00 : f32
      %swap3A_14 = arith.constant 0 : index
      %swap3A_15 = arith.constant 0 : index
      %swap3A_16 = memref.load %arg2[%swap3A_14, %swap3A_15] : memref<1x1xf32, #tpu.memory_space<smem>>
      memref.store %swap3A_13, %arg2[%swap3A_14, %swap3A_15] : memref<1x1xf32, #tpu.memory_space<smem>>
    } else {
    }
    %get3A = arith.constant 0 : index
    %get3A_2 = arith.constant 0 : index
    %get3A_3 = vector.load %arg1[%get3A, %get3A_2] : memref<6400x128xf32, #tpu.memory_space<vmem>>, vector<6400x128xf32>
    %get3A_4 = arith.constant 0 : index
    %get3A_5 = arith.constant 0 : index
    %get3A_6 = memref.load %arg2[%get3A_4, %get3A_5] : memref<1x1xf32, #tpu.memory_space<smem>>
    %mul3A = arith.mulf %get3A_3, %get3A_3 : vector<6400x128xf32>
    %reduce_sum3A = vector.shape_cast %mul3A : vector<6400x128xf32> to vector<1x6400x128xf32>
    %reduce_sum3A_7 = arith.constant dense<0.000000e+00> : vector<1xf32>
    %reduce_sum3A_8 = vector.multi_reduction <add>, %reduce_sum3A, %reduce_sum3A_7 [1, 2] : vector<1x6400x128xf32> to vector<1xf32>
    %reduce_sum3A_9 = vector.shape_cast %reduce_sum3A_8 : vector<1xf32> to vector<1x1x1xf32>
    %reduce_sum3A_10 = vector.extract %reduce_sum3A_9[0, 0, 0] : f32 from vector<1x1x1xf32>
    %add3A = arith.addf %get3A_6, %reduce_sum3A_10 : f32
    %swap3A = arith.constant 0 : index
    %swap3A_11 = arith.constant 0 : index
    %swap3A_12 = memref.load %arg2[%swap3A, %swap3A_11] : memref<1x1xf32, #tpu.memory_space<smem>>
    memref.store %add3A, %arg2[%swap3A, %swap3A_11] : memref<1x1xf32, #tpu.memory_space<smem>>
    return
  }
  func.func @transform_0(%arg0: i32) -> (i32, i32) {
    %c0_i32 = arith.constant 0 : i32
    %c0_i32_0 = arith.constant 0 : i32
    return %arg0, %c0_i32 : i32, i32
  }
  func.func @transform_1(%arg0: i32) -> (i32, i32) {
    %c0_i32 = arith.constant 0 : i32
    %c0_i32_0 = arith.constant 0 : i32
    %c0_i32_1 = arith.constant 0 : i32
    return %c0_i32, %c0_i32_0 : i32, i32
  }
}

module attributes {stable_mosaic.version = 14 : i64} {
  func.func @_tc_combine_body(%arg0: memref<64x128xf32, #tpu.memory_space<vmem>>, %arg1: memref<128x16xf32, #tpu.memory_space<vmem>>, %arg2: memref<1x1xf32, #tpu.memory_space<smem>>, %arg3: memref<1x1xf32, #tpu.memory_space<smem>>) attributes {dimension_semantics = [], scalar_prefetch = 0 : i64, scratch_operands = 0 : i64, tpu.core_type = #tpu.core_type<tc>} {
    %get3A = arith.constant 0 : index
    %get3A_0 = arith.constant 0 : index
    %get3A_1 = vector.load %arg0[%get3A, %get3A_0] : memref<64x128xf32, #tpu.memory_space<vmem>>, vector<64x128xf32>
    %get3A_2 = arith.constant 0 : index
    %get3A_3 = arith.constant 0 : index
    %get3A_4 = vector.load %arg1[%get3A_2, %get3A_3] : memref<128x16xf32, #tpu.memory_space<vmem>>, vector<128x16xf32>
    %slice3A = vector.extract_strided_slice %get3A_4 {offsets = [0, 0], sizes = [64, 1], strides = [1, 1]} : vector<128x16xf32> to vector<64x1xf32>
    %slice3A_5 = vector.extract_strided_slice %get3A_4 {offsets = [0, 1], sizes = [64, 1], strides = [1, 1]} : vector<128x16xf32> to vector<64x1xf32>
    %get3A_6 = arith.constant 0 : index
    %get3A_7 = arith.constant 0 : index
    %get3A_8 = memref.load %arg2[%get3A_6, %get3A_7] : memref<1x1xf32, #tpu.memory_space<smem>>
    %slice3A_9 = vector.extract_strided_slice %get3A_4 {offsets = [96, 0], sizes = [32, 16], strides = [1, 1]} : vector<128x16xf32> to vector<32x16xf32>
    %reduce_sum3A = vector.shape_cast %slice3A_9 : vector<32x16xf32> to vector<1x32x16xf32>
    %reduce_sum3A_10 = arith.constant dense<0.000000e+00> : vector<1xf32>
    %reduce_sum3A_11 = vector.multi_reduction <add>, %reduce_sum3A, %reduce_sum3A_10 [1, 2] : vector<1x32x16xf32> to vector<1xf32>
    %reduce_sum3A_12 = vector.shape_cast %reduce_sum3A_11 : vector<1xf32> to vector<1x1x1xf32>
    %reduce_sum3A_13 = vector.extract %reduce_sum3A_12[0, 0, 0] : f32 from vector<1x1x1xf32>
    %reshape3A = vector.shape_cast %slice3A : vector<64x1xf32> to vector<1x64xf32>
    %eq3A = vector.broadcast %slice3A : vector<64x1xf32> to vector<64x64xf32>
    %eq3A_14 = vector.broadcast %reshape3A : vector<1x64xf32> to vector<64x64xf32>
    %eq3A_15 = arith.cmpf oeq, %eq3A, %eq3A_14 : vector<64x64xf32>
    %convert_element_type3A = arith.extui %eq3A_15 : vector<64x64xi1> to vector<64x64xi32>
    %convert_element_type3A_16 = arith.sitofp %convert_element_type3A : vector<64x64xi32> to vector<64x64xf32>
    %dot_general3A = arith.constant dense<0.000000e+00> : vector<64x128xf32>
    %dot_general3A_17 = tpu.matmul %convert_element_type3A_16, %get3A_1, %dot_general3A {dimension_numbers = #tpu.dot_dimension_numbers<[1], [0], [0], [1], [0, 0, 1, 1], [], []>, transpose_lhs_hint = false} : vector<64x64xf32>, vector<64x128xf32>, vector<64x128xf32> -> vector<64x128xf32>
    %dot_general3A_18 = arith.constant dense<0.000000e+00> : vector<64x1xf32>
    %dot_general3A_19 = tpu.matmul %convert_element_type3A_16, %slice3A_5, %dot_general3A_18 {dimension_numbers = #tpu.dot_dimension_numbers<[1], [0], [0], [1], [0, 0, 1, 1], [], []>, transpose_lhs_hint = false} : vector<64x64xf32>, vector<64x1xf32>, vector<64x1xf32> -> vector<64x1xf32>
    %iota3A = tpu.iota {dimensions = array<i32: 0>} : vector<64x64xi32>
    %iota3A_20 = tpu.iota {dimensions = array<i32: 1>} : vector<64x64xi32>
    %lt3A = arith.cmpi slt, %iota3A_20, %iota3A : vector<64x64xi32>
    %convert_element_type3A_21 = arith.extui %lt3A : vector<64x64xi1> to vector<64x64xi32>
    %convert_element_type3A_22 = arith.sitofp %convert_element_type3A_21 : vector<64x64xi32> to vector<64x64xf32>
    %mul3A = arith.mulf %convert_element_type3A_16, %convert_element_type3A_22 : vector<64x64xf32>
    %reduce_sum3A_23 = arith.constant dense<0.000000e+00> : vector<64xf32>
    %reduce_sum3A_24 = vector.multi_reduction <add>, %mul3A, %reduce_sum3A_23 [1] : vector<64x64xf32> to vector<64xf32>
    %broadcast_in_dim3A = vector.shape_cast %reduce_sum3A_24 : vector<64xf32> to vector<64x1xf32>
    %eq3A_25 = arith.constant 0.000000e+00 : f32
    %eq3A_26 = vector.broadcast %eq3A_25 : f32 to vector<64x1xf32>
    %eq3A_27 = arith.cmpf oeq, %broadcast_in_dim3A, %eq3A_26 : vector<64x1xf32>
    %convert_element_type3A_28 = arith.extui %eq3A_27 : vector<64x1xi1> to vector<64x1xi32>
    %convert_element_type3A_29 = arith.sitofp %convert_element_type3A_28 : vector<64x1xi32> to vector<64x1xf32>
    %mul3A_30 = arith.mulf %dot_general3A_17, %dot_general3A_17 : vector<64x128xf32>
    %reduce_sum3A_31 = arith.constant dense<0.000000e+00> : vector<64xf32>
    %reduce_sum3A_32 = vector.multi_reduction <add>, %mul3A_30, %reduce_sum3A_31 [1] : vector<64x128xf32> to vector<64xf32>
    %broadcast_in_dim3A_33 = vector.shape_cast %reduce_sum3A_32 : vector<64xf32> to vector<64x1xf32>
    %mul3A_34 = arith.mulf %convert_element_type3A_29, %broadcast_in_dim3A_33 : vector<64x1xf32>
    %max3A = arith.constant 1.000000e+00 : f32
    %max3A_35 = vector.broadcast %max3A : f32 to vector<64x1xf32>
    %max3A_36 = arith.maximumf %dot_general3A_19, %max3A_35 : vector<64x1xf32>
    %div3A = arith.divf %mul3A_34, %max3A_36 : vector<64x1xf32>
    %reduce_sum3A_37 = vector.shape_cast %div3A : vector<64x1xf32> to vector<1x64x1xf32>
    %reduce_sum3A_38 = arith.constant dense<0.000000e+00> : vector<1xf32>
    %reduce_sum3A_39 = vector.multi_reduction <add>, %reduce_sum3A_37, %reduce_sum3A_38 [1, 2] : vector<1x64x1xf32> to vector<1xf32>
    %reduce_sum3A_40 = vector.shape_cast %reduce_sum3A_39 : vector<1xf32> to vector<1x1x1xf32>
    %reduce_sum3A_41 = vector.extract %reduce_sum3A_40[0, 0, 0] : f32 from vector<1x1x1xf32>
    %add3A = arith.addf %reduce_sum3A_13, %reduce_sum3A_41 : f32
    %sub3A = arith.subf %get3A_8, %add3A : f32
    %div3A_42 = arith.constant 4.096000e+07 : f32
    %div3A_43 = arith.divf %sub3A, %div3A_42 : f32
    %swap3A = arith.constant 0 : index
    %swap3A_44 = arith.constant 0 : index
    %swap3A_45 = memref.load %arg3[%swap3A, %swap3A_44] : memref<1x1xf32, #tpu.memory_space<smem>>
    memref.store %div3A_43, %arg3[%swap3A, %swap3A_44] : memref<1x1xf32, #tpu.memory_space<smem>>
    return
  }
}

</mosaic_0001>

<sc_bundles>
// kernel: kernel.5.cloned.1.call-start
scs
__scs_entry_jumppad:
0x0: {  	(pc) =	sbr.rel $0x88, $3  }
0x1: {  	(tag) =	ssettag $0x0;
	lr =	simm.s32 $0x1  }
0x2: {  	[smem:$0x3F9F] =	sst lr;
	_ =	strace $0xD0000000  }
0x3: {  	_ = 	snop  }
0x4: {  	_ = 	snop  }
0x5: {  	_ = 	snop  }
0x6: {  	_ = 	snop  }
0x7: {  	_ = 	snop  }
__scs_overlays_trampoline_lowered:
0x8: {  	[smem:$0x3FAE] =	sst s0  }
0x9: {  	[smem:$0x3FAF] =	sst s1  }
0xa: {  	[smem:$0x3FB0] =	sst s2  }
0xb: {  	[smem:$0x3FB1] =	sst s3  }
0xc: {  	[smem:$0x3FB2] =	sst s4  }
0xd: {  	[smem:$0x3FB3] =	sst s5  }
0xe: {  	[smem:$0x3FB4] =	sst s6  }
0xf: {  	[smem:$0x3FB5] =	sst s7  }
0x10: {  	[smem:$0x3FB6] =	sst s8  }
0x11: {  	[smem:$0x3FB7] =	sst s9;
	s0 =	simm.s32 @!p0 $0x0  }
0x12: {  	s1 =	sld [smem:$0x3F9D];
	s0 =	simm.s32 @p0 $0x1  }
0x13: {  	[smem:$0x3FB8] =	sst s0;
	s0 =	simm.s32 @!p1 $0x0  }
0x14: {  	s2 =	sld [smem:$0x3F9C];
	s0 =	simm.s32 @p1 $0x1  }
0x15: {  	[smem:$0x3FB9] =	sst s0;
	s0 =	simm.s32 @!p2 $0x0  }
0x16: {  	s3 =	sld [smem:$0x3FDB];
	s0 =	simm.s32 @p2 $0x1  }
0x17: {  	s4 =	simm.s32 $0x1BF5;
	[smem:$0x3FBB] =	sst s0  }
0x18: {  	s0 =	sld [smem:$0x3F9E];
	_ =	swait.ge [sflag:s4], $0x0  }
0x19: {  	s7 =	sld [smem:$0x3F9F]  }
0x1a: {  	s8 =	sadd.s32 $0xFFFFE003, lr  }
0x1b: {  	s9 =	sadd.s32 $0xFFFFFEF7, lr;
	s5 =	simm.s32 $0xFFFFFFFF;
	p2 =	slt.u32 s8, $0xFFFFF086  }
0x1c: {  	p1 =	slt.u32 s9, $0xF7A;
	s5 =	simm.s32 @!p2 $0x0  }
0x1d: {  	s5 =	simm.s32 @p1 $0x1;
	p0 =	seq.s32 s7, s2  }
0x1e: {  	s7 =	smul.u32 @!p0 $0xF7A, s2;
	p2 =	seq.s32 @!p0 s5, $0x0  }
0x1f: {  	s9 =	smul.u32 $0xF7A, s1;
	s8 =	simm.s32 @!p0 $0x1BF5;
	p2 =	por !p2, p0  }
0x20: {  	[sflag:s8] =	ssyncset.s32 @!p0 $0xFFFFF086;
	s6 =	sadd.s32 @!p0 s3, s7;
	s7 =	simm.s32 @!p0 $0x108  }
0x21: {  	s3 =	sadd.s32 s3, s9;
	s6 =	sadd.s32 @!p0 $0x88, s6;
	s7 =	simm.s32 @p2 $0x1082  }
0x22: {  	[simem:s7], [sflag:s8] =	dma.local @!p0 [hbm:s6], $0xF7A  }
0x23: {  	s9 =	sor.u32 $0xD0000000, s2;
	s6 =	simm.s32 $0x108;
	_ =	swait.ge @!p0 [sflag:s8], $0x0  }
0x24: {  	s3 =	sadd.s32 $0x88, s3;
	s6 =	simm.s32 @!p1 $0x1082;
	[sflag:s4] =	ssyncset.s32 $0xFFFFF086  }
0x25: {  	[simem:s6], [sflag:s4] =	dma.local [hbm:s3], $0xF7A  }
0x26: {  	[smem:$0x3F9F] =	sst s1;
	(tag) =	ssettag s2;
	_ =	strace s9  }
0x27: {  	s1 =	sld [smem:$0x3FAF]  }
0x28: {  	s2 =	sld [smem:$0x3FB0]  }
0x29: {  	s4 =	sld [smem:$0x3FB2]  }
0x2a: {  	p0 =	seq.s32 s5, $0x0;
	s5 =	sld [smem:$0x3FB3]  }
0x2b: {  	s6 =	sld [smem:$0x3FB4]  }
0x2c: {  	s7 =	sld [smem:$0x3FB5]  }
0x2d: {  	s3 =	simm.s32 $0x108;
	s8 =	sld [smem:$0x3FB6]  }
0x2e: {  	s3 =	simm.s32 @!p0 $0x1082;
	s9 =	sld [smem:$0x3FB7]  }
0x2f: {  	lr =	sadd.s32 s0, s3;
	s0 =	sld [smem:$0x3FAE]  }
0x30: {  	s3 =	sld [smem:$0x3FB1]  }
0x31: {  	[smem:$0x3FBA] =	sst s10  }
0x32: {  	s10 =	sld [smem:$0x3FB8];
	_ =	sdelay $0x3  }
0x33: {  	p0 =	seq.s32 s10, $0x1;
	s10 =	sld [smem:$0x3FBA];
	_ =	sdelay $0x3  }
0x34: {  	[smem:$0x3FBA] =	sst s10  }
0x35: {  	s10 =	sld [smem:$0x3FB9];
	_ =	sdelay $0x3  }
0x36: {  	p1 =	seq.s32 s10, $0x1;
	s10 =	sld [smem:$0x3FBA];
	_ =	sdelay $0x3  }
0x37: {  	[smem:$0x3FBA] =	sst s10  }
0x38: {  	s10 =	sld [smem:$0x3FBB]  }
0x39: {  	_ = 	snop;
	(pc) =	sbr.ind lr, $3  }
0x3a: {  	_ = 	snop  }
0x3b: {  	_ = 	snop  }
0x3c: {  	p2 =	seq.s32 s10, $0x1;
	s10 =	sld [smem:$0x3FBA]  }
0x3d: {  	_ =	shalt  }
0x3e: {  	_ =	shalt  }
0x3f: {  	_ =	shalt  }
0x40: {  	_ =	shalt  }
0x41: {  	_ =	shalt  }
0x42: {  	_ =	shalt  }
0x43: {  	_ =	shalt  }
0x44: {  	_ =	shalt  }
0x45: {  	_ =	shalt  }
0x46: {  	_ =	shalt  }
0x47: {  	_ =	shalt  }
0x48: {  	_ =	shalt  }
0x49: {  	_ =	shalt  }
0x4a: {  	_ =	shalt  }
0x4b: {  	_ =	shalt  }
0x4c: {  	_ =	shalt  }
0x4d: {  	_ =	shalt  }
0x4e: {  	_ =	shalt  }
0x4f: {  	_ =	shalt  }
0x50: {  	_ =	shalt  }
0x51: {  	_ =	shalt  }
0x52: {  	_ =	shalt  }
0x53: {  	_ =	shalt  }
0x54: {  	_ =	shalt  }
0x55: {  	_ =	shalt  }
0x56: {  	_ =	shalt  }
0x57: {  	_ =	shalt  }
0x58: {  	_ =	shalt  }
0x59: {  	_ =	shalt  }
0x5a: {  	_ =	shalt  }
0x5b: {  	_ =	shalt  }
0x5c: {  	_ =	shalt  }
0x5d: {  	_ =	shalt  }
0x5e: {  	_ =	shalt  }
0x5f: {  	_ =	shalt  }
0x60: {  	_ =	shalt  }
0x61: {  	_ =	shalt  }
0x62: {  	_ =	shalt  }
0x63: {  	_ =	shalt  }
0x64: {  	_ =	shalt  }
0x65: {  	_ =	shalt  }
0x66: {  	_ =	shalt  }
0x67: {  	_ =	shalt  }
0x68: {  	_ =	shalt  }
0x69: {  	_ =	shalt  }
0x6a: {  	_ =	shalt  }
0x6b: {  	_ =	shalt  }
0x6c: {  	_ =	shalt  }
0x6d: {  	_ =	shalt  }
0x6e: {  	_ =	shalt  }
0x6f: {  	_ =	shalt  }
0x70: {  	_ =	shalt  }
0x71: {  	_ =	shalt  }
0x72: {  	_ =	shalt  }
0x73: {  	_ =	shalt  }
0x74: {  	_ =	shalt  }
0x75: {  	_ =	shalt  }
0x76: {  	_ =	shalt  }
0x77: {  	_ =	shalt  }
0x78: {  	_ =	shalt  }
0x79: {  	_ =	shalt  }
0x7a: {  	_ =	shalt  }
0x7b: {  	_ =	shalt  }
0x7c: {  	_ =	shalt  }
0x7d: {  	_ =	shalt  }
0x7e: {  	_ =	shalt  }
0x7f: {  	_ =	shalt  }
0x80: {  	_ =	shalt  }
0x81: {  	_ =	shalt  }
0x82: {  	_ =	shalt  }
0x83: {  	_ =	shalt  }
0x84: {  	_ =	shalt  }
0x85: {  	_ =	shalt  }
0x86: {  	_ =	shalt  }
0x87: {  	_ =	shalt  }
.Lfunc_end0:
.L_simem_size_0:
called_computation_lowered:
.L_overlay_start_0:
0x88: {  	s2 =	sld [smem:$0x3FD9]  }
0x89: {  	s3 =	sld [smem:$0x3FFE];
	_ =	sdelay $0x1  }
0x8a: {  	s1 =	srdreg.scid  }
0x8b: {  	s0 =	sand.u32 $0x1, s1  }
0x8c: {  	s17 =	sshll.u32 s0, $0xA;
	s2 =	sadd.s32 s3, s2  }
0x8d: {  	s2 =	sadd.s32 s2, s17  }
0x8e: {  	[smem:$0x3FC6] =	sst s2  }
0x8f: {  	_ = 	snop  }
0x90: {  	s2 =	sld [smem:$0x3FC9]  }
0x91: {  	s18 =	sld [smem:$0x3FC8];
	(tm) =	ssettm $0x1  }
0x92: {  	s4 =	sld [smem:$0x3FFB];
	_ =	sdelay $0x3  }
0x93: {  	_ =	strace s4  }
0x94: {  	s4 =	sld [smem:$0x3FFC];
	_ =	sdelay $0x3  }
0x95: {  	_ =	strace s4  }
0x96: {  	s4 =	sld [smem:$0x3FFD];
	_ =	sdelay $0x3  }
0x97: {  	_ =	strace s4  }
0x98: {  	_ =	strace $0x8FFFFFFF  }
0x99: {  	s19 =	sld [smem:$0x3FDB];
	_ =	sdelay $0x1  }
0x9a: {  	s5 =	simm.s32 $_scs_section_size  }
0x9b: {  	s6 =	simm.s32 $_size__tile_overlayer_lowered;
	s7 =	simm.s32 $_tile_overlayer_lowered  }
0x9c: {  	s22 =	simm.s32 $0x1BFF;
	s21 =	sshll.u32 s7, $0x1;
	s4 =	sadd.s32 s5, s19  }
0x9d: {  	s8 =	simm.s32 $0x0;
	s20 =	sshll.u32 s6, $0x1;
	s6 =	sadd.s32 s21, s4  }
0x9e: {  	[timem:s8], [sflag:s22] =	dma.local [hbm:s6], s20  }
0x9f: {  	_ =	swait.ge [sflag:s22], s20  }
0xa0: {  	s5 =	ssub.s32 $0x0, s20;
	[sflag:s22] =	ssyncset.done $0x0  }
0xa1: {  	[sflag:s22] =	ssyncadd.s32 s5;
	_ =	sdelay $0x1  }
0xa2: {  	s23 =	simm.s32 $0x1B8B  }
0xa3: {  	_ =	swait.ge [sflag:s23], $0x1  }
0xa4: {  	[sflag:s23] =	ssyncset.done $0x0  }
0xa5: {  	s25 =	simm.s32 $0x1B8E;
	s24 =	sld [smem:$0x3FFE];
	[sflag:s23] =	ssyncadd.s32 $0xFFFFFFFF  }
0xa6: {  	s26 =	simm.s32 $execute0_lowered;
	[smem:$0x3FD2] =	sst s25  }
0xa7: {  	s6 =	sshll.u32 s26, $0x1;
	_ =	strace $0x80000046;
	[dreg:$0x1] =	wrdreg $0xFFFFFFFF  }
0xa8: {  	s28 =	simm.s32 $_size_execute0_lowered;
	s4 =	sadd.s32 s4, s6;
	[dreg:$0x0] =	wrdreg $0x0  }
0xa9: {  	s6 =	sshll.u32 s28, $0x1;
	[dreg:$0x2] =	wrdreg s4  }
0xaa: {  	[dreg:$0x3] =	wrdreg s6  }
0xab: {  	[dreg:$0x4] =	wrdreg $0xC0  }
0xac: {  	_ =	task [dreg:s8], $0x5FFFF  }
0xad: {  	[dreg:$0x1] =	wrdreg $0xFFFFFFFF  }
0xae: {  	[dreg:$0x0] =	wrdreg $0x60  }
0xaf: {  	[dreg:$0x2] =	wrdreg s2  }
0xb0: {  	[dreg:$0x3] =	wrdreg s18  }
0xb1: {  	[dreg:$0x4] =	wrdreg s24  }
0xb2: {  	[dreg:$0x5] =	wrdreg $0x9  }
0xb3: {  	_ =	task.clear_ibuf [dreg:s8], $0x6FFFF;
	_ =	strace $0x90000046  }
0xb4: {  	s29 =	simm.s32 $0x9;
	_ =	strace $0x80000048  }
0xb5: {  	_ =	swait.ge [sflag:s29], $0x1  }
0xb6: {  	[sflag:s29] =	ssyncadd.s32 $0xFFFFFFFF  }
0xb7: {  	_ =	strace $0x90000048  }
0xb8: {  	_ =	sfence  }
0xb9: {  	s30 =	sld [smem:$0x0];
	_ =	sdelay $0x2  }
0xba: {  	s31 =	sshll.u32 s1, $0xD;
	s1 =	sshrl.u32 s1, $0x2  }
0xbb: {  	s3 =	sand.u32 $0x4000, s31;
	s1 =	sadd.s32 s1, s30  }
0xbc: {  	s0 =	sor.u32 s3, s0;
	s1 =	sshll.u32 s1, $0x11  }
0xbd: {  	s0 =	sor.u32 s1, s0  }
0xbe: {  	s0 =	sadd.s32 $0x8F2B, s0  }
0xbf: {  	[sflag:s0] =	ssyncadd.remote.s32 $0x1  }
0xc0: {  	_ =	sfence.sel $0xFFFF  }
0xc1: {  	[dreg:$0x0] =	wrdreg $0xFFFFFFFF;
	(pc) =	sbr.abs _section_cstart, $3  }
0xc2: {  	[dreg:$0x1] =	wrdreg $0xFFFFFFFF  }
0xc3: {  	_ =	task.clear_ibuf [dreg:s8], $0x2FFFF;
	_ =	strace $0x9FFFFFFF  }
0xc4: {  	(tm) =	ssettm $0x7FFFFFFF  }
0xc5: {  	_ =	shalt  }
tec
execute0_lowered:
.L_overlay_start_1:
0x0: {  	(tag) =	ssettag $0x1  }
0x1: {  	s1 =	rddreg [dreg:$0x0]  }
0x2: {  	s0 =	rddreg [dreg:$0x1]  }
0x3: {  	s2 =	rddreg [dreg:$0x2]  }
0x4: {  	s4 =	srdreg.scid;
	s5 =	stileid.u32;
	s3 =	simm.s32 $0x0  }
0x5: {  	s14 =	simm.s32 $0x3;
	s16 =	simm.s32 $0x8B80;
	s17 =	simm.s32 $0x1  }
0x6: {  	s18 =	simm.s32 $0x2;
	s4 =	sand.u32 $0x1, s4;
	s5 =	sshll.u32 s5, $0x1  }
0x7: {  	s23 =	simm.s32 $0x0;
	[smem:$0x7FF] =	sst s3;
	s5 =	sor.u32 s4, s5  }
0x8: {  	_ =	strace $0x80000047;
	s4 =	ssub.s32 $0x2, s4;
	s6 =	smul.u32 $0x2710, s5  }
0x9: {  	s9 =	sshll.u32 s5, $0x5;
	s7 =	smul.u32 $0x138800, s5;
	s8 =	sshrl.u32 s4, $0x1  }
0xa: {  	s12 =	smul.u32 $0x27100, s5;
	s30 =	sshll.u32 s5, $0x4;
	s10 =	sadd.s32 s9, s2  }
0xb: {  	s2 =	sadd.s32 $0xC00, s2;
	s4 =	ssub.s32 s4, s8;
	s11 =	sshrl.u32 s6, $0x3  }
0xc: {  	s7 =	sshrl.u32 s7, $0x3;
	s29 =	sadd.s32 s1, s12;
	s8 =	sadd.s32 $0x258, s6  }
.Ltmp0:
0xd: {  	s31 =	sadd.s32 $0x1400, s10;
	s10 =	sadd.s32 s2, s9;
	(pc) =	sbr.rel .LBB2_1-.Ltmp0, $4  }
0xe: {  	s0 =	sadd.s32 s0, s11;
	s28 =	sadd.s32 s1, s7;
	[dreg:$0x5] =	wrdreg s29  }
0xf: {  	s13 =	smax.u32 s4, $0x1;
	[dreg:$0x4] =	wrdreg s0;
	s0 =	sadd.s32 $0xC80, s28  }
0x10: {  	s7 =	sadd.s32 $0x190, s6;
	[dreg:$0x6] =	wrdreg s0;
	s0 =	sadd.s32 s30, s2  }
0x11: {  	vm0 =	vcmask $0x300;
	vm1 =	vcmask $0x704;
	v0 =	vimm.f32 $0.0e+00;
	[dreg:$0x7] =	wrdreg s31;
	s11 =	sadd.s32 $0x400, s0;
	s12 =	sadd.s32 $0x600, s0  }
.LBB2_8:
0x12: {  	v1 =	vld [tilespmem:$0xF280];
	[tilespmem:$0xF000] =	vst v9  }
0x13: {  	[tilespmem:$0xF010] =	vst v8  }
0x14: {  	[tilespmem:$0xF020] =	vst v7  }
0x15: {  	[tilespmem:$0xF030] =	vst v6  }
0x16: {  	[tilespmem:$0xF040] =	vst v5  }
0x17: {  	[tilespmem:$0xEF80] =	vst v1;
	v1 =	vld [tilespmem:$0xF2B0]  }
0x18: {  	v10 =	vld [tilespmem:$0xF290];
	[tilespmem:$0xF050] =	vst v4  }
0x19: {  	v11 =	vld [tilespmem:$0xF2A0];
	[tilespmem:$0xF060] =	vst v3  }
0x1a: {  	v59 =	vld [tilespmem:$0xF2C0];
	[tilespmem:$0xF070] =	vst v2  }
0x1b: {  	v60 =	vld [tilespmem:$0xF2D0];
	[tilespmem:$0xF180] =	vst v0  }
0x1c: {  	[tilespmem:$0xEFB0] =	vst v1;
	v1 =	vld [tilespmem:$0xF2E0]  }
0x1d: {  	v61 =	vld [tilespmem:$0xF2F0];
	[tilespmem:$0xEF90] =	vst v10  }
0x1e: {  	v62 =	vld [tilespmem:$0xF300];
	[tilespmem:$0xEFA0] =	vst v11  }
0x1f: {  	s0 =	scvt.s32.f32 s0;
	v63 =	vld [tilespmem:$0xF380];
	[tilespmem:$0xEFC0] =	vst v59  }
0x20: {  	[tilespmem:$0xEFD0] =	vst v60  }
0x21: {  	v3 =	vmov s4;
	[tilespmem:$0xEFE0] =	vst v1;
	v1 =	vmov s0  }
0x22: {  	v3 =	vnsel vm1, $0x0, v3;
	[tilespmem:$0xEFF0] =	vst v61;
	v1 =	vnsel vm0, $0x0, v1  }
0x23: {  	[tilespmem:$0xF080] =	vst v62;
	v1 =	vadd.f32 v1, v3  }
0x24: {  	[tilespmem:$0xF200] =	vst v63  }
0x25: {  	s28 =	rddreg [dreg:$0x7];
	s2 =	simm.s32 $0xEF80;
	[tilespmem:$0xF100] =	vst v1  }
0x26: {  	[hbm4b:s28+s3] =	stream.linear.scatter [tilespmem:s2], [sflag:$0x3], $0x100, $0x38;
	[tilespmem:$0xF400] =	vst v63  }
0x27: {  	_ =	swait.ge [sflag:s14], $0x100  }
0x28: {  	[sflag:s14] =	ssyncset.done $0x0  }
0x29: {  	s29 =	simm.s32 $0xF080;
	[sflag:s14] =	ssyncadd.s32 $0xFFFFFF00  }
0x2a: {  	[hbm4b:s10+s3] =	stream.linear.scatter [tilespmem:s29], [sflag:$0x3], $0x100, $0x38;
	[tilespmem:$0xF400] =	vst v63  }
0x2b: {  	_ =	swait.ge [sflag:s14], $0x100  }
0x2c: {  	[sflag:s14] =	ssyncset.done $0x0  }
0x2d: {  	s30 =	simm.s32 $0xF180;
	[sflag:s14] =	ssyncadd.s32 $0xFFFFFF00  }
0x2e: {  	[hbm4b:s11+s3] =	stream.linear.scatter [tilespmem:s30], [sflag:$0x3], $0x80, $0x38;
	[tilespmem:$0xF400] =	vst v63  }
0x2f: {  	s23 =	sadd.s32 $0x1, s23;
	_ =	swait.ge [sflag:s14], $0x80  }
0x30: {  	p0 =	sne.s32 s23, s13;
	[sflag:s14] =	ssyncset.done $0x0  }
.Ltmp1:
0x31: {  	s31 =	simm.s32 $0xF200;
	[sflag:s14] =	ssyncadd.s32 $0xFFFFFF80;
	(pc) =	sbr.rel @!p0 .LBB2_9-.Ltmp1, $4  }
0x32: {  	[hbm4b:s12+s3] =	stream.linear.scatter [tilespmem:s31], [sflag:$0x3], $0x80, $0x38;
	[tilespmem:$0xF400] =	vst v63  }
0x33: {  	_ =	swait.ge [sflag:s14], $0x80  }
0x34: {  	[sflag:s14] =	ssyncset.done $0x0  }
0x35: {  	[sflag:s14] =	ssyncadd.s32 $0xFFFFFF80  }
.LBB2_1:
0x36: {  	s0 =	rddreg [dreg:$0x4]  }
0x37: {  	[tilespmem:s3], [sflag:$0x3] =	stream.linear.gather [hbm4b:s0+s3], $0x2710, $0x38;
	[tilespmem:$0xF400] =	vst v63  }
0x38: {  	_ =	swait.ge [sflag:s14], $0x2710  }
0x39: {  	[sflag:s14] =	ssyncset.done $0x0  }
0x3a: {  	s2 =	simm.s32 $0x2780;
	s30 =	rddreg [dreg:$0x5];
	[sflag:s14] =	ssyncadd.s32 $0xFFFFD8F0  }
0x3b: {  	[tilespmem:s2], [sflag:$0x1] =	stream.linear.gather [hbm4b:s30+s3], $0x6400, $0x38;
	[tilespmem:$0xF400] =	vst v63  }
0x3c: {  	s31 =	rddreg [dreg:$0x6]  }
0x3d: {  	[tilespmem:s16], [sflag:$0x2] =	stream.linear.gather [hbm4b:s31+s3], $0x6400, $0x38;
	[tilespmem:$0xF400] =	vst v63  }
0x3e: {  	[tilespmem:$0xF280] =	vst v0  }
0x3f: {  	[tilespmem:$0xF290] =	vst v0  }
0x40: {  	[tilespmem:$0xF2A0] =	vst v0  }
0x41: {  	[tilespmem:$0xF2B0] =	vst v0  }
0x42: {  	[tilespmem:$0xF2C0] =	vst v0  }
0x43: {  	[tilespmem:$0xF2D0] =	vst v0  }
0x44: {  	[tilespmem:$0xF2E0] =	vst v0  }
0x45: {  	s4 =	simm.f32 $0.0e+00;
	v2 =	vimm.f32 $0.0e+00;
	v3 =	vimm.f32 $0.0e+00;
	[tilespmem:$0xF2F0] =	vst v0  }
0x46: {  	s24 =	simm.s32 $0xC9;
	s25 =	simm.s32 $0x1;
	v4 =	vimm.f32 $0.0e+00;
	v5 =	vimm.f32 $0.0e+00;
	v6 =	vimm.f32 $0.0e+00;
	s26 =	simm.s32 $0x0;
	[tilespmem:$0xF300] =	vst v0  }
0x47: {  	s6 =	simm.s32 $0x0;
	v7 =	vimm.f32 $0.0e+00;
	v8 =	vimm.f32 $0.0e+00;
	v9 =	vimm.f32 $0.0e+00;
	s28 =	simm.s32 $0x0;
	s0 =	simm.s32 $0xFFFFFFFF;
	[tilespmem:$0xF380] =	vst v0  }
.LBB2_2:
0x48: {  	v1 =	vmov s25;
	_ =	sdelay $0x1  }
0x49: {  	_ =	swait.ge [sflag:s17], $0x6400  }
0x4a: {  	[sflag:s17] =	ssyncset.done $0x0  }
0x4b: {  	s2 =	simm.s32 $0x0;
	[sflag:s17] =	ssyncadd.s32 $0xFFFF9C00  }
0x4c: {  	v10 =	vld.idx.msk [tilespmem:v1+s2+$0xFFFFFFFF ss:$0x1], $0xffff;
	_ =	sdelay $0x4  }
0x4d: {  	(v2sf) =	vpush v10, $0x0;
	_ =	sdelay $0xe  }
0x4e: {  	s5 =	spop (v2sf)  }
0x4f: {  	p0 =	sne.s32 s26, $0x0;
	p1 =	sne.s32 s5, s0  }
0x50: {  	p0 =	por !p0, !p1  }
0x51: {  	p5 =	sgt.s32 s6, $0x0;
	p0 =	por !p0, !p0  }
0x52: {  	p1 =	por !p5, !p0  }
0x53: {  	p1 =	por !p1, !p1  }
0x54: {  	v10 =	vmul.f32 @p1 v9, v9;
	v11 =	vmul.f32 @p1 v8, v8;
	v12 =	vmov @p1 s4  }
0x55: {  	v12 =	vadd.f32 @p1 $0.0e+00, v12  }
0x56: {  	v10 =	vadd.f32 @p1 v11, v10;
	v11 =	vmul.f32 @p1 v7, v7  }
0x57: {  	v12 =	vmax.f32 @p1 v12, $1.000000000e+00  }
0x58: {  	v10 =	vadd.f32 @p1 v11, v10;
	v11 =	vmul.f32 @p1 v6, v6;
	v12 =	vbroadcast @p1 v12, $0x0;
	_ =	sdelay $0x1  }
0x59: {  	v10 =	vadd.f32 @p1 v11, v10;
	v11 =	vmul.f32 @p1 v5, v5;
	(erf) = vrcp.f32 @p1 v12;
	_ =	sdelay $0x1  }
0x5a: {  	v10 =	vadd.f32 @p1 v11, v10;
	v11 =	vmul.f32 @p1 v4, v4  }
0x5b: {  	p2 =	sne.s32 s6, $0x0  }
0x5c: {  	p2 =	por !p0, p2;
	v10 =	vadd.f32 @p1 v11, v10;
	v11 =	vmul.f32 @p1 v3, v3  }
0x5d: {  	[tilespmem:$0xF2F0] =	vst @!p2 v2  }
0x5e: {  	[tilespmem:$0xF2E0] =	vst @!p2 v3;
	v10 =	vadd.f32 @p1 v11, v10;
	v11 =	vmul.f32 @p1 v2, v2  }
0x5f: {  	s0 =	scvt.s32.f32 @!p2 s0;
	[tilespmem:$0xF2D0] =	vst @!p2 v4;
	v12 =	vld @p1 [tilespmem:$0xF380]  }
0x60: {  	vm2 =	vcmask @!p2 $0x300;
	[tilespmem:$0xF2C0] =	vst @!p2 v5;
	v10 =	vadd.f32 @p1 v11, v10  }
0x61: {  	vm3 =	vcmask @!p2 $0x704;
	[tilespmem:$0xF2B0] =	vst @!p2 v6;
	v13 =	vmov @!p2 s0;
	v11 =	vmov @!p2 s4;
	v14 =	vpop @p1 (erf)  }
0x62: {  	[tilespmem:$0xF2A0] =	vst @!p2 v7;
	v13 =	vnsel @!p2 vm2, $0x0, v13;
	v11 =	vnsel @!p2 vm3, $0x0, v11;
	v10 =	vmul.f32 @p1 v14, v10  }
0x63: {  	[tilespmem:$0xF290] =	vst @!p2 v8;
	v11 =	vadd.f32 @!p2 v13, v11  }
0x64: {  	[tilespmem:$0xF280] =	vst @!p2 v9;
	v10 =	vadd.f32 @p1 v12, v10  }
0x65: {  	[tilespmem:$0xF300] =	vst @!p2 v11  }
0x66: {  	[tilespmem:$0xF380] =	vst @p1 v10  }
0x67: {  	v10 =	vld.idx.msk [tilespmem:v1+s2+$0x0 ss:$0x1], $0xffff;
	_ =	sdelay $0x4  }
0x68: {  	(v2sf) =	vpush v10, $0x0;
	_ =	sdelay $0x9  }
0x69: {  	s2 =	simm.s32 $0x2800  }
0x6a: {  	v11 =	vld [tilespmem:s2+$0xFFFFFF80]  }
0x6b: {  	v10 =	vld [tilespmem:s2+$0xFFFFFF90]  }
0x6c: {  	s0 =	simm.s32 $0x1  }
0x6d: {  	s0 =	simm.s32 @!p0 $0x0;
	v12 =	vld [tilespmem:s2+$0xFFFFFFA0]  }
0x6e: {  	s21 =	sadd.s32 s0, s6;
	v13 =	vld [tilespmem:s2+$0xFFFFFFB0];
	s22 =	spop (v2sf)  }
0x6f: {  	v9 =	vpsel p0, $0x0, v9;
	v8 =	vpsel p0, $0x0, v8;
	p6 =	sgt.s32 s21, $0x0;
	p1 =	sne.s32 s22, s5  }
0x70: {  	s9 =	sadd.f32 $1.000000000e+00, s4;
	v9 =	vadd.f32 v11, v9;
	v11 =	vadd.f32 v10, v8;
	p2 =	por !p6, !p1  }
0x71: {  	v7 =	vpsel p0, $0x0, v7;
	v6 =	vpsel p0, $0x0, v6;
	v8 =	vld [tilespmem:s2+$0xFFFFFFC0];
	p2 =	por !p2, !p2  }
0x72: {  	s9 =	simm.s32 @p0 $0x3F800000;
	v7 =	vadd.f32 v12, v7;
	v10 =	vmul.f32 @p2 v9, v9;
	v14 =	vmul.f32 @p2 v11, v11  }
0x73: {  	v6 =	vadd.f32 v13, v6;
	v12 =	vld [tilespmem:s2+$0xFFFFFFD0];
	v13 =	vmov @p2 s9  }
0x74: {  	v13 =	vmax.f32 @p2 v13, $1.000000000e+00;
	v10 =	vadd.f32 @p2 v14, v10;
	v14 =	vmul.f32 @p2 v7, v7  }
0x75: {  	v5 =	vpsel p0, $0x0, v5;
	v15 =	vld [tilespmem:s2+$0xFFFFFFE0];
	v13 =	vbroadcast @p2 v13, $0x0  }
0x76: {  	v5 =	vadd.f32 v8, v5;
	v8 =	vmul.f32 @p2 v6, v6;
	v10 =	vadd.f32 @p2 v14, v10  }
0x77: {  	v4 =	vpsel p0, $0x0, v4;
	v14 =	vld [tilespmem:s2+$0xFFFFFFF0];
	(erf) = vrcp.f32 @p2 v13  }
0x78: {  	v13 =	vadd.f32 v12, v4;
	v4 =	vmul.f32 @p2 v5, v5;
	v8 =	vadd.f32 @p2 v8, v10  }
0x79: {  	v3 =	vpsel p0, $0x0, v3  }
0x7a: {  	p3 =	sne.s32 s21, $0x0;
	v16 =	vadd.f32 v15, v3;
	v3 =	vmul.f32 @p2 v13, v13;
	v4 =	vadd.f32 @p2 v4, v8  }
0x7b: {  	v2 =	vpsel p0, $0x0, v2;
	p4 =	seq.s32 @!p3 s22, s5  }
0x7c: {  	p0 =	por p4, p3;
	v8 =	vmul.f32 @p2 v16, v16;
	v2 =	vadd.f32 v14, v2;
	v3 =	vadd.f32 @p2 v3, v4  }
0x7d: {  	[tilespmem:$0xF2B0] =	vst @!p0 v6  }
0x7e: {  	[tilespmem:$0xF2E0] =	vst @!p0 v16;
	v4 =	vmul.f32 @p2 v2, v2;
	v3 =	vadd.f32 @p2 v8, v3  }
0x7f: {  	s0 =	scvt.s32.f32 @!p0 s5;
	[tilespmem:$0xF2C0] =	vst @!p0 v5;
	v8 =	vld @p2 [tilespmem:$0xF380]  }
0x80: {  	vm2 =	vcmask @!p0 $0x704;
	[tilespmem:$0xF290] =	vst @!p0 v11;
	v3 =	vadd.f32 @p2 v4, v3  }
0x81: {  	vm3 =	vcmask @!p0 $0x300;
	[tilespmem:$0xF280] =	vst @!p0 v9;
	v10 =	vmov @!p0 s9;
	v12 =	vpop @p2 (erf);
	v4 =	vmov @!p0 s0  }
0x82: {  	[tilespmem:$0xF2A0] =	vst @!p0 v7;
	v10 =	vnsel @!p0 vm2, $0x0, v10;
	v4 =	vnsel @!p0 vm3, $0x0, v4;
	v3 =	vmul.f32 @p2 v3, v12  }
0x83: {  	[tilespmem:$0xF2D0] =	vst @!p0 v13;
	v4 =	vadd.f32 @!p0 v10, v4  }
0x84: {  	[tilespmem:$0xF2F0] =	vst @!p0 v2;
	v3 =	vadd.f32 @p2 v8, v3  }
0x85: {  	[tilespmem:$0xF300] =	vst @!p0 v4  }
0x86: {  	[tilespmem:$0xF380] =	vst @p2 v3  }
0x87: {  	v4 =	vld [tilespmem:s2+$0x20]  }
0x88: {  	s15 =	simm.s32 $0x2;
	v12 =	vld [tilespmem:s2+$0x0]  }
0x89: {  	s29 =	smul.u32 $0x190, s28;
	s19 =	simm.s32 $0x1;
	s20 =	sadd.f32 $1.000000000e+00, s9;
	v15 =	vld.idx.msk [tilespmem:v1+s15+$0xFFFFFFFF ss:$0x1], $0xffff  }
0x8a: {  	s30 =	simm.s32 $0x2900;
	s31 =	simm.s32 $0x2900;
	s4 =	simm.s32 $0x8;
	v5 =	vpsel p1, $0x0, v5;
	v11 =	vpsel p1, $0x0, v11;
	v8 =	vld [tilespmem:s2+$0x70]  }
0x8b: {  	s19 =	simm.s32 @!p1 $0x0;
	s20 =	simm.s32 @p1 $0x3F800000;
	s5 =	simm.s32 $0x18;
	v3 =	vpsel p1, $0x0, v7;
	v7 =	vpsel p1, $0x0, v6;
	v6 =	vpsel p1, $0x0, v13;
	v13 =	vld [tilespmem:s2+$0x30]  }
0x8c: {  	s21 =	sadd.s32 s19, s21;
	s19 =	simm.s32 $0x4;
	v2 =	vpsel p1, $0x0, v2;
	s0 =	simm.s32 $0x10;
	v10 =	vpsel p1, $0x0, v9;
	v9 =	vpsel p1, $0x0, v16;
	v14 =	vld [tilespmem:s2+$0x40]  }
.LBB2_3:
0x8d: {  	s30 =	sadd.s32 $0x100, s30;
	v16 =	vld [tilespmem:s2+$0x50];
	s9 =	smov.u32 s5;
	s5 =	sadd.s32 $0x8, s5  }
0x8e: {  	p0 =	sne.s32 s5, $0x320;
	v17 =	vld [tilespmem:s2+$0x60]  }
0x8f: {  	v4 =	vadd.f32 v4, v3;
	(v2sf) =	vpush v15, $0x0;
	v15 =	vld [tilespmem:s2+$0x10];
	s2 =	smov.u32 s31;
	s31 =	smov.u32 s30  }
0x90: {  	v2 =	vadd.f32 v8, v2;
	v3 =	vadd.f32 v13, v7  }
0x91: {  	v7 =	vadd.f32 v14, v5  }
0x92: {  	v8 =	vadd.f32 v16, v6  }
0x93: {  	v5 =	vadd.f32 v12, v10;
	v9 =	vadd.f32 v17, v9  }
0x94: {  	v6 =	vadd.f32 v15, v11;
	_ =	sdelay $0x9  }
0x95: {  	s6 =	spop (v2sf)  }
0x96: {  	p1 =	sne.s32 s26, s4;
	s4 =	smov.u32 s0;
	p2 =	sne.s32 s6, s22  }
0x97: {  	p3 =	sgt.s32 s21, $0x0;
	s0 =	smov.u32 s9;
	p1 =	por !p1, !p2  }
0x98: {  	s9 =	simm.s32 $0x1;
	p2 =	sne.s32 s21, $0x0;
	p1 =	por !p1, !p1  }
0x99: {  	p3 =	por !p3, !p1;
	p2 =	por !p1, p2;
	s9 =	simm.s32 @!p1 $0x0  }
0x9a: {  	p3 =	por !p3, !p3;
	s22 =	scvt.s32.f32 @!p2 s22;
	vm2 =	vcmask @!p2 $0x300;
	v10 =	vmov @!p2 s20;
	vm3 =	vcmask @!p2 $0x704  }
0x9b: {  	v11 =	vmul.f32 @p3 v5, v5;
	v12 =	vmul.f32 @p3 v6, v6;
	v13 =	vmov @p3 s20  }
0x9c: {  	v10 =	vnsel @!p2 vm3, $0x0, v10;
	v14 =	vmov @!p2 s22;
	v13 =	vadd.f32 @p3 $0.0e+00, v13  }
0x9d: {  	v14 =	vnsel @!p2 vm2, $0x0, v14;
	v11 =	vadd.f32 @p3 v12, v11;
	v12 =	vmul.f32 @p3 v4, v4  }
0x9e: {  	v10 =	vadd.f32 @!p2 v14, v10;
	v13 =	vmax.f32 @p3 v13, $1.000000000e+00  }
0x9f: {  	v11 =	vadd.f32 @p3 v12, v11;
	v12 =	vmul.f32 @p3 v3, v3;
	v13 =	vbroadcast @p3 v13, $0x0;
	_ =	sdelay $0x1  }
0xa0: {  	v11 =	vadd.f32 @p3 v12, v11;
	v12 =	vmul.f32 @p3 v7, v7;
	(erf) = vrcp.f32 @p3 v13;
	_ =	sdelay $0x1  }
0xa1: {  	v11 =	vadd.f32 @p3 v12, v11;
	v12 =	vmul.f32 @p3 v8, v8;
	_ =	sdelay $0x1  }
0xa2: {  	v11 =	vadd.f32 @p3 v12, v11;
	v12 =	vmul.f32 @p3 v9, v9  }
0xa3: {  	[tilespmem:$0xF2F0] =	vst @!p2 v2  }
0xa4: {  	v14 =	vmul.f32 @p3 v2, v2;
	[tilespmem:$0xF2E0] =	vst @!p2 v9;
	v11 =	vadd.f32 @p3 v12, v11  }
0xa5: {  	[tilespmem:$0xF2D0] =	vst @!p2 v8;
	v13 =	vld @p3 [tilespmem:$0xF380]  }
0xa6: {  	[tilespmem:$0xF2C0] =	vst @!p2 v7;
	v11 =	vadd.f32 @p3 v14, v11  }
0xa7: {  	[tilespmem:$0xF2B0] =	vst @!p2 v3;
	v12 =	vpop @p3 (erf)  }
0xa8: {  	[tilespmem:$0xF2A0] =	vst @!p2 v4;
	v11 =	vmul.f32 @p3 v12, v11  }
0xa9: {  	[tilespmem:$0xF290] =	vst @!p2 v6  }
0xaa: {  	[tilespmem:$0xF280] =	vst @!p2 v5;
	v11 =	vadd.f32 @p3 v13, v11  }
0xab: {  	[tilespmem:$0xF300] =	vst @!p2 v10  }
0xac: {  	[tilespmem:$0xF380] =	vst @p3 v11  }
0xad: {  	v10 =	vld.idx.msk [tilespmem:v1+s15+$0x0 ss:$0x1], $0xffff;
	s15 =	smov.u32 s19  }
0xae: {  	v11 =	vld [tilespmem:s2+$0xFFFFFFB0];
	_ =	sdelay $0x4  }
0xaf: {  	(v2sf) =	vpush v10, $0x0;
	_ =	sdelay $0xa  }
0xb0: {  	v10 =	vld [tilespmem:s2+$0xFFFFFF90]  }
0xb1: {  	s19 =	sadd.f32 $1.000000000e+00, s20;
	v12 =	vld [tilespmem:s2+$0xFFFFFF80];
	_ =	sdelay $0x1  }
0xb2: {  	s9 =	sadd.s32 s9, s21;
	s21 =	simm.s32 $0x1;
	s19 =	simm.s32 @p1 $0x3F800000;
	v13 =	vld [tilespmem:s2+$0xFFFFFFA0]  }
0xb3: {  	v9 =	vpsel p1, $0x0, v9;
	v8 =	vpsel p1, $0x0, v8;
	v7 =	vpsel p1, $0x0, v7;
	p2 =	sne.s32 s9, $0x0;
	p3 =	sgt.s32 s9, $0x0;
	s22 =	spop (v2sf)  }
0xb4: {  	v4 =	vpsel p1, $0x0, v4;
	v6 =	vpsel p1, $0x0, v6;
	v5 =	vpsel p1, $0x0, v5;
	s20 =	sadd.f32 $1.000000000e+00, s19;
	v14 =	vld [tilespmem:s2+$0xFFFFFFF0];
	p4 =	sne.s32 s22, s6;
	p5 =	seq.s32 @!p2 s22, s6  }
0xb5: {  	v3 =	vpsel p1, $0x0, v3;
	v15 =	vadd.f32 v10, v6;
	v12 =	vadd.f32 v12, v5;
	v6 =	vld [tilespmem:s2+$0xFFFFFFE0];
	p3 =	por !p3, !p4;
	p2 =	por p5, p2;
	s21 =	simm.s32 @!p4 $0x0  }
0xb6: {  	v11 =	vadd.f32 v11, v3;
	v3 =	vld [tilespmem:s2+$0xFFFFFFC0];
	p3 =	por !p3, !p3;
	s6 =	scvt.s32.f32 @!p2 s6;
	v5 =	vmov @!p2 s19;
	vm2 =	vcmask @!p2 $0x704;
	s21 =	sadd.s32 s21, s9  }
0xb7: {  	s20 =	simm.s32 @p4 $0x3F800000;
	v10 =	vld [tilespmem:s2+$0xFFFFFFD0];
	v16 =	vmul.f32 @p3 v12, v12;
	v17 =	vmul.f32 @p3 v15, v15;
	v18 =	vmov @p3 s19  }
0xb8: {  	v4 =	vadd.f32 v13, v4;
	[tilespmem:$0xF2B0] =	vst @!p2 v11;
	v13 =	vmov @!p2 s6;
	v18 =	vmax.f32 @p3 v18, $1.000000000e+00  }
0xb9: {  	vm3 =	vcmask @!p2 $0x300;
	v16 =	vadd.f32 @p3 v17, v16;
	v17 =	vbroadcast @p3 v18, $0x0  }
0xba: {  	v5 =	vnsel @!p2 vm2, $0x0, v5;
	v13 =	vnsel @!p2 vm3, $0x0, v13;
	v18 =	vmul.f32 @p3 v4, v4  }
0xbb: {  	v19 =	vadd.f32 v3, v7;
	v7 =	vmul.f32 @p3 v11, v11;
	(erf) = vrcp.f32 @p3 v17  }
0xbc: {  	v13 =	vadd.f32 @!p2 v5, v13;
	v16 =	vadd.f32 @p3 v18, v16;
	v3 =	vpsel p4, $0x0, v4  }
0xbd: {  	v8 =	vadd.f32 v10, v8;
	v17 =	vmul.f32 @p3 v19, v19;
	v5 =	vpsel p4, $0x0, v19  }
0xbe: {  	v10 =	vpsel p4, $0x0, v12;
	v16 =	vadd.f32 @p3 v7, v16;
	v7 =	vpsel p4, $0x0, v11  }
0xbf: {  	v18 =	vadd.f32 v6, v9;
	v20 =	vmul.f32 @p3 v8, v8;
	v6 =	vpsel p4, $0x0, v8  }
0xc0: {  	v2 =	vpsel p1, $0x0, v2;
	v11 =	vpsel p4, $0x0, v15;
	v16 =	vadd.f32 @p3 v17, v16  }
0xc1: {  	v14 =	vadd.f32 v14, v2;
	v21 =	vmul.f32 @p3 v18, v18;
	v9 =	vpsel p4, $0x0, v18  }
0xc2: {  	v16 =	vadd.f32 @p3 v20, v16  }
0xc3: {  	v2 =	vpsel p4, $0x0, v14;
	v20 =	vmul.f32 @p3 v14, v14  }
0xc4: {  	[tilespmem:$0xF2F0] =	vst @!p2 v14;
	v14 =	vadd.f32 @p3 v21, v16;
	v16 =	vld @p3 [tilespmem:$0xF380];
	v17 =	vpop @p3 (erf)  }
0xc5: {  	[tilespmem:$0xF2E0] =	vst @!p2 v18  }
0xc6: {  	[tilespmem:$0xF2D0] =	vst @!p2 v8;
	v8 =	vadd.f32 @p3 v20, v14  }
0xc7: {  	[tilespmem:$0xF2C0] =	vst @!p2 v19  }
0xc8: {  	[tilespmem:$0xF290] =	vst @!p2 v15;
	v8 =	vmul.f32 @p3 v8, v17  }
0xc9: {  	[tilespmem:$0xF280] =	vst @!p2 v12  }
0xca: {  	[tilespmem:$0xF2A0] =	vst @!p2 v4;
	v4 =	vadd.f32 @p3 v16, v8  }
0xcb: {  	[tilespmem:$0xF300] =	vst @!p2 v13  }
0xcc: {  	[tilespmem:$0xF380] =	vst @p3 v4  }
0xcd: {  	v4 =	vld [tilespmem:s2+$0x20]  }
.Ltmp2:
0xce: {  	v12 =	vld [tilespmem:s2+$0x0];
	(pc) =	sbr.rel @p0 .LBB2_3-.Ltmp2, $4  }
0xcf: {  	v15 =	vld.idx.msk [tilespmem:v1+s15+$0xFFFFFFFF ss:$0x1], $0xffff  }
0xd0: {  	s19 =	sshra.s32 s0, $0x2;
	v8 =	vld [tilespmem:s2+$0x70]  }
0xd1: {  	v13 =	vld [tilespmem:s2+$0x30]  }
0xd2: {  	v14 =	vld [tilespmem:s2+$0x40]  }
0xd3: {  	_ = 	snop  }
0xd4: {  	(v2sf) =	vpush v15, $0x0;
	_ =	sdelay $0xd  }
0xd5: {  	v15 =	vld [tilespmem:s2+$0x10]  }
0xd6: {  	s5 =	spop (v2sf)  }
0xd7: {  	p0 =	sne.s32 s26, s4;
	p1 =	sne.s32 s5, s22  }
0xd8: {  	p0 =	por !p0, !p1  }
0xd9: {  	p2 =	sgt.s32 s21, $0x0;
	p0 =	por !p0, !p0  }
0xda: {  	v10 =	vadd.f32 v12, v10;
	v11 =	vadd.f32 v15, v11;
	p1 =	por !p2, !p0  }
0xdb: {  	v3 =	vadd.f32 v4, v3;
	p1 =	por !p1, !p1  }
0xdc: {  	v4 =	vld [tilespmem:s2+$0x50];
	v12 =	vmul.f32 @p1 v10, v10;
	v15 =	vmul.f32 @p1 v11, v11;
	v16 =	vmov @p1 s20  }
0xdd: {  	v16 =	vadd.f32 @p1 $0.0e+00, v16  }
0xde: {  	v7 =	vadd.f32 v13, v7;
	v13 =	vmul.f32 @p1 v3, v3;
	v12 =	vadd.f32 @p1 v15, v12  }
0xdf: {  	v5 =	vadd.f32 v14, v5;
	v15 =	vld [tilespmem:s2+$0x60];
	v14 =	vmax.f32 @p1 v16, $1.000000000e+00  }
0xe0: {  	v12 =	vadd.f32 @p1 v13, v12;
	v13 =	vmul.f32 @p1 v7, v7;
	v14 =	vbroadcast @p1 v14, $0x0  }
0xe1: {  	v4 =	vadd.f32 v4, v6  }
0xe2: {  	v6 =	vadd.f32 @p1 v13, v12;
	v12 =	vmul.f32 @p1 v5, v5;
	(erf) = vrcp.f32 @p1 v14;
	_ =	sdelay $0x1  }
0xe3: {  	v9 =	vadd.f32 v15, v9;
	v6 =	vadd.f32 @p1 v12, v6;
	v12 =	vmul.f32 @p1 v4, v4  }
0xe4: {  	v2 =	vadd.f32 v8, v2;
	p2 =	sne.s32 s21, $0x0  }
0xe5: {  	p2 =	por !p0, p2;
	v8 =	vmul.f32 @p1 v9, v9;
	v6 =	vadd.f32 @p1 v12, v6  }
0xe6: {  	[tilespmem:$0xF2F0] =	vst @!p2 v2  }
0xe7: {  	[tilespmem:$0xF2D0] =	vst @!p2 v4;
	v6 =	vadd.f32 @p1 v8, v6;
	v8 =	vmul.f32 @p1 v2, v2  }
0xe8: {  	s2 =	scvt.s32.f32 @!p2 s22;
	[tilespmem:$0xF2C0] =	vst @!p2 v5;
	v12 =	vld @p1 [tilespmem:$0xF380]  }
0xe9: {  	vm2 =	vcmask @!p2 $0x300;
	[tilespmem:$0xF2B0] =	vst @!p2 v7;
	v6 =	vadd.f32 @p1 v8, v6  }
0xea: {  	vm3 =	vcmask @!p2 $0x704;
	[tilespmem:$0xF2A0] =	vst @!p2 v3;
	v13 =	vmov @!p2 s2;
	v8 =	vmov @!p2 s20;
	v14 =	vpop @p1 (erf)  }
0xeb: {  	[tilespmem:$0xF290] =	vst @!p2 v11;
	v13 =	vnsel @!p2 vm2, $0x0, v13;
	v8 =	vnsel @!p2 vm3, $0x0, v8;
	v6 =	vmul.f32 @p1 v14, v6  }
0xec: {  	[tilespmem:$0xF280] =	vst @!p2 v10;
	v8 =	vadd.f32 @!p2 v13, v8  }
0xed: {  	[tilespmem:$0xF2E0] =	vst @!p2 v9;
	v6 =	vadd.f32 @p1 v12, v6  }
0xee: {  	[tilespmem:$0xF300] =	vst @!p2 v8  }
0xef: {  	[tilespmem:$0xF380] =	vst @p1 v6  }
0xf0: {  	v6 =	vld.idx.msk [tilespmem:v1+s15+$0x0 ss:$0x1], $0xffff;
	_ =	sdelay $0x4  }
0xf1: {  	(v2sf) =	vpush v6, $0x0;
	_ =	sdelay $0xa  }
0xf2: {  	v8 =	vld [tilespmem:s31+$0xFFFFFF80]  }
0xf3: {  	v6 =	vld [tilespmem:s31+$0xFFFFFF90]  }
0xf4: {  	s2 =	simm.s32 $0x1  }
0xf5: {  	s2 =	simm.s32 @!p0 $0x0;
	v12 =	vld [tilespmem:s31+$0xFFFFFFA0]  }
0xf6: {  	s6 =	sadd.s32 s2, s21;
	v13 =	vld [tilespmem:s31+$0xFFFFFFB0];
	s4 =	spop (v2sf)  }
0xf7: {  	v10 =	vpsel p0, $0x0, v10;
	v11 =	vpsel p0, $0x0, v11;
	p3 =	sgt.s32 s6, $0x0;
	p1 =	sne.s32 s4, s5  }
0xf8: {  	v8 =	vadd.f32 v8, v10;
	v10 =	vld [tilespmem:s31+$0xFFFFFFC0];
	v6 =	vadd.f32 v6, v11;
	p2 =	por !p3, !p1  }
0xf9: {  	s9 =	sadd.f32 $1.000000000e+00, s20;
	v3 =	vpsel p0, $0x0, v3;
	v7 =	vpsel p0, $0x0, v7;
	p2 =	por !p2, !p2  }
0xfa: {  	v3 =	vadd.f32 v12, v3;
	v12 =	vld [tilespmem:s31+$0xFFFFFFD0];
	v11 =	vmul.f32 @p2 v8, v8;
	v14 =	vmul.f32 @p2 v6, v6  }
0xfb: {  	s9 =	simm.s32 @p0 $0x3F800000;
	v5 =	vpsel p0, $0x0, v5;
	v7 =	vadd.f32 v13, v7  }
0xfc: {  	v13 =	vmov @p2 s9;
	v11 =	vadd.f32 @p2 v14, v11;
	v14 =	vmul.f32 @p2 v3, v3  }
0xfd: {  	v4 =	vpsel p0, $0x0, v4;
	v15 =	vld [tilespmem:s31+$0xFFFFFFE0];
	v5 =	vadd.f32 v10, v5;
	v13 =	vmax.f32 @p2 v13, $1.000000000e+00  }
0xfe: {  	v10 =	vmul.f32 @p2 v7, v7;
	v13 =	vbroadcast @p2 v13, $0x0;
	v11 =	vadd.f32 @p2 v14, v11  }
0xff: {  	v4 =	vadd.f32 v12, v4;
	v14 =	vld [tilespmem:s31+$0xFFFFFFF0]  }
0x100: {  	v12 =	vmul.f32 @p2 v5, v5;
	(erf) = vrcp.f32 @p2 v13;
	v10 =	vadd.f32 @p2 v10, v11  }
0x101: {  	v9 =	vpsel p0, $0x0, v9  }
0x102: {  	v9 =	vadd.f32 v15, v9;
	p3 =	sne.s32 s6, $0x0;
	v11 =	vmul.f32 @p2 v4, v4;
	v10 =	vadd.f32 @p2 v12, v10  }
0x103: {  	v2 =	vpsel p0, $0x0, v2;
	p4 =	seq.s32 @!p3 s4, s5  }
0x104: {  	p0 =	por p4, p3;
	v12 =	vmul.f32 @p2 v9, v9;
	v2 =	vadd.f32 v14, v2;
	v10 =	vadd.f32 @p2 v11, v10  }
0x105: {  	[tilespmem:$0xF2B0] =	vst @!p0 v7  }
0x106: {  	[tilespmem:$0xF2E0] =	vst @!p0 v9;
	v11 =	vmul.f32 @p2 v2, v2;
	v10 =	vadd.f32 @p2 v12, v10  }
0x107: {  	s2 =	scvt.s32.f32 @!p0 s5;
	[tilespmem:$0xF2D0] =	vst @!p0 v4;
	v12 =	vld @p2 [tilespmem:$0xF380]  }
0x108: {  	vm2 =	vcmask @!p0 $0x704;
	[tilespmem:$0xF2C0] =	vst @!p0 v5;
	v10 =	vadd.f32 @p2 v11, v10  }
0x109: {  	vm3 =	vcmask @!p0 $0x300;
	v13 =	vmov @!p0 s9;
	[tilespmem:$0xF290] =	vst @!p0 v6;
	v14 =	vpop @p2 (erf);
	v11 =	vmov @!p0 s2  }
0x10a: {  	[tilespmem:$0xF280] =	vst @!p0 v8;
	v13 =	vnsel @!p0 vm2, $0x0, v13;
	v11 =	vnsel @!p0 vm3, $0x0, v11;
	v10 =	vmul.f32 @p2 v10, v14  }
0x10b: {  	[tilespmem:$0xF2A0] =	vst @!p0 v3;
	v11 =	vadd.f32 @!p0 v13, v11  }
0x10c: {  	[tilespmem:$0xF2F0] =	vst @!p0 v2;
	v10 =	vadd.f32 @p2 v12, v10  }
0x10d: {  	[tilespmem:$0xF300] =	vst @!p0 v11  }
0x10e: {  	[tilespmem:$0xF380] =	vst @p2 v10  }
0x10f: {  	v10 =	vld.idx.msk [tilespmem:v1+s19+$0xFFFFFFFF ss:$0x1], $0xffff;
	_ =	sdelay $0x4  }
0x110: {  	(v2sf) =	vpush v10, $0x0;
	_ =	sdelay $0xc  }
0x111: {  	v11 =	vld [tilespmem:s31+$0x10]  }
0x112: {  	v10 =	vld [tilespmem:s31+$0x0]  }
0x113: {  	s5 =	simm.s32 $0x1;
	v12 =	vld [tilespmem:s31+$0x20];
	s2 =	spop (v2sf)  }
0x114: {  	p4 =	sne.s32 s26, s0;
	s5 =	simm.s32 @!p1 $0x0;
	p5 =	sne.s32 s2, s4  }
0x115: {  	s22 =	sadd.s32 s5, s6;
	p0 =	por !p4, !p5  }
0x116: {  	s9 =	sadd.f32 $1.000000000e+00, s9;
	v8 =	vpsel p1, $0x0, v8;
	v6 =	vpsel p1, $0x0, v6;
	p6 =	sgt.s32 s22, $0x0;
	v13 =	vld [tilespmem:s31+$0x30];
	p0 =	por !p0, !p0  }
0x117: {  	v3 =	vpsel p1, $0x0, v3;
	v14 =	vld [tilespmem:s31+$0x40];
	v6 =	vadd.f32 v11, v6;
	v8 =	vadd.f32 v10, v8;
	p2 =	por !p6, !p0  }
0x118: {  	s9 =	simm.s32 @p1 $0x3F800000;
	v3 =	vadd.f32 v12, v3;
	p2 =	por !p2, !p2  }
0x119: {  	v10 =	vld [tilespmem:s31+$0x50];
	v11 =	vmul.f32 @p2 v8, v8;
	v12 =	vmul.f32 @p2 v6, v6;
	v15 =	vmov @p2 s9  }
0x11a: {  	v5 =	vpsel p1, $0x0, v5;
	v7 =	vpsel p1, $0x0, v7;
	v15 =	vadd.f32 @p2 $0.0e+00, v15  }
0x11b: {  	v7 =	vadd.f32 v13, v7;
	v11 =	vadd.f32 @p2 v12, v11;
	v12 =	vmul.f32 @p2 v3, v3  }
0x11c: {  	v4 =	vpsel p1, $0x0, v4;
	v13 =	vld [tilespmem:s31+$0x60];
	v5 =	vadd.f32 v14, v5;
	v14 =	vmax.f32 @p2 v15, $1.000000000e+00  }
0x11d: {  	v11 =	vadd.f32 @p2 v12, v11;
	v12 =	vmul.f32 @p2 v7, v7;
	v14 =	vbroadcast @p2 v14, $0x0  }
0x11e: {  	v4 =	vadd.f32 v10, v4;
	v15 =	vld [tilespmem:s31+$0x70]  }
0x11f: {  	v10 =	vadd.f32 @p2 v12, v11;
	v11 =	vmul.f32 @p2 v5, v5;
	(erf) = vrcp.f32 @p2 v14  }
0x120: {  	v9 =	vpsel p1, $0x0, v9  }
0x121: {  	v9 =	vadd.f32 v13, v9;
	v10 =	vadd.f32 @p2 v11, v10;
	v11 =	vmul.f32 @p2 v4, v4  }
0x122: {  	p3 =	sne.s32 s22, $0x0;
	v2 =	vpsel p1, $0x0, v2  }
0x123: {  	p1 =	por !p0, p3;
	v2 =	vadd.f32 v15, v2;
	v10 =	vadd.f32 @p2 v11, v10;
	v11 =	vmul.f32 @p2 v9, v9  }
0x124: {  	[tilespmem:$0xF2E0] =	vst @!p1 v9  }
0x125: {  	[tilespmem:$0xF2D0] =	vst @!p1 v4;
	v10 =	vadd.f32 @p2 v11, v10;
	v11 =	vmul.f32 @p2 v2, v2  }
0x126: {  	s4 =	scvt.s32.f32 @!p1 s4;
	[tilespmem:$0xF2C0] =	vst @!p1 v5;
	v12 =	vld @p2 [tilespmem:$0xF380]  }
0x127: {  	vm2 =	vcmask @!p1 $0x300;
	[tilespmem:$0xF2B0] =	vst @!p1 v7;
	v10 =	vadd.f32 @p2 v11, v10  }
0x128: {  	vm3 =	vcmask @!p1 $0x704;
	v13 =	vmov @!p1 s4;
	[tilespmem:$0xF2A0] =	vst @!p1 v3;
	v11 =	vmov @!p1 s9;
	v14 =	vpop @p2 (erf)  }
0x129: {  	v13 =	vnsel @!p1 vm2, $0x0, v13;
	[tilespmem:$0xF290] =	vst @!p1 v6;
	v11 =	vnsel @!p1 vm3, $0x0, v11;
	v10 =	vmul.f32 @p2 v14, v10  }
0x12a: {  	[tilespmem:$0xF280] =	vst @!p1 v8;
	v11 =	vadd.f32 @!p1 v13, v11  }
0x12b: {  	[tilespmem:$0xF2F0] =	vst @!p1 v2;
	v10 =	vadd.f32 @p2 v12, v10  }
0x12c: {  	[tilespmem:$0xF300] =	vst @!p1 v11  }
0x12d: {  	[tilespmem:$0xF380] =	vst @p2 v10  }
0x12e: {  	v1 =	vld.idx.msk [tilespmem:v1+s19+$0x0 ss:$0x1], $0xffff;
	_ =	sdelay $0x4  }
0x12f: {  	(v2sf) =	vpush v1, $0x0;
	_ =	sdelay $0x9  }
0x130: {  	s30 =	sadd.s32 $0x100, s30  }
0x131: {  	v10 =	vld [tilespmem:s30+$0xFFFFFF80]  }
0x132: {  	v1 =	vld [tilespmem:s30+$0xFFFFFF90]  }
0x133: {  	s4 =	simm.s32 $0x1  }
0x134: {  	s4 =	simm.s32 @!p0 $0x0;
	v11 =	vld [tilespmem:s30+$0xFFFFFFA0]  }
0x135: {  	s5 =	sadd.s32 s4, s22;
	v12 =	vld [tilespmem:s30+$0xFFFFFFB0];
	s0 =	spop (v2sf)  }
0x136: {  	v8 =	vpsel p0, $0x0, v8;
	v6 =	vpsel p0, $0x0, v6;
	p4 =	sgt.s32 s5, $0x0;
	p1 =	sne.s32 s0, s2  }
0x137: {  	v8 =	vadd.f32 v10, v8;
	v1 =	vadd.f32 v1, v6;
	v6 =	vpsel p0, $0x0, v7;
	v7 =	vld [tilespmem:s30+$0xFFFFFFC0];
	p2 =	por !p4, !p1  }
0x138: {  	s4 =	sadd.f32 $1.000000000e+00, s9;
	v3 =	vpsel p0, $0x0, v3;
	p2 =	por !p2, !p2  }
0x139: {  	v3 =	vadd.f32 v11, v3;
	v11 =	vld [tilespmem:s30+$0xFFFFFFD0];
	v10 =	vmul.f32 @p2 v8, v8;
	v13 =	vmul.f32 @p2 v1, v1  }
0x13a: {  	s4 =	simm.s32 @p0 $0x3F800000;
	v5 =	vpsel p0, $0x0, v5;
	v6 =	vadd.f32 v12, v6  }
0x13b: {  	v12 =	vmov @p2 s4;
	v10 =	vadd.f32 @p2 v13, v10;
	v13 =	vmul.f32 @p2 v3, v3  }
0x13c: {  	v4 =	vpsel p0, $0x0, v4;
	v14 =	vld [tilespmem:s30+$0xFFFFFFE0];
	v5 =	vadd.f32 v7, v5;
	v12 =	vmax.f32 @p2 v12, $1.000000000e+00  }
0x13d: {  	v7 =	vmul.f32 @p2 v6, v6;
	v12 =	vbroadcast @p2 v12, $0x0;
	v10 =	vadd.f32 @p2 v13, v10  }
0x13e: {  	v4 =	vadd.f32 v11, v4;
	v13 =	vld [tilespmem:s30+$0xFFFFFFF0]  }
0x13f: {  	v11 =	vmul.f32 @p2 v5, v5;
	(erf) = vrcp.f32 @p2 v12;
	v7 =	vadd.f32 @p2 v7, v10  }
0x140: {  	v9 =	vpsel p0, $0x0, v9  }
0x141: {  	p3 =	sne.s32 s5, $0x0;
	v9 =	vadd.f32 v14, v9;
	v10 =	vmul.f32 @p2 v4, v4;
	v7 =	vadd.f32 @p2 v11, v7  }
0x142: {  	v2 =	vpsel p0, $0x0, v2;
	p4 =	seq.s32 @!p3 s0, s2  }
0x143: {  	p0 =	por p4, p3;
	v11 =	vmul.f32 @p2 v9, v9;
	v2 =	vadd.f32 v13, v2;
	v7 =	vadd.f32 @p2 v10, v7  }
0x144: {  	[tilespmem:$0xF2B0] =	vst @!p0 v6  }
0x145: {  	[tilespmem:$0xF2E0] =	vst @!p0 v9;
	v10 =	vmul.f32 @p2 v2, v2;
	v7 =	vadd.f32 @p2 v11, v7  }
0x146: {  	s2 =	scvt.s32.f32 @!p0 s2;
	[tilespmem:$0xF2D0] =	vst @!p0 v4;
	v11 =	vld @p2 [tilespmem:$0xF380]  }
0x147: {  	vm2 =	vcmask @!p0 $0x704;
	[tilespmem:$0xF2C0] =	vst @!p0 v5;
	v7 =	vadd.f32 @p2 v10, v7  }
0x148: {  	vm3 =	vcmask @!p0 $0x300;
	v12 =	vmov @!p0 s4;
	[tilespmem:$0xF290] =	vst @!p0 v1;
	v13 =	vpop @p2 (erf);
	v10 =	vmov @!p0 s2  }
0x149: {  	[tilespmem:$0xF280] =	vst @!p0 v8;
	v12 =	vnsel @!p0 vm2, $0x0, v12;
	v10 =	vnsel @!p0 vm3, $0x0, v10;
	v7 =	vmul.f32 @p2 v7, v13  }
0x14a: {  	[tilespmem:$0xF2A0] =	vst @!p0 v3;
	v10 =	vadd.f32 @!p0 v12, v10  }
0x14b: {  	[tilespmem:$0xF2F0] =	vst @!p0 v2;
	v7 =	vadd.f32 @p2 v11, v7  }
0x14c: {  	[tilespmem:$0xF300] =	vst @!p0 v10  }
0x14d: {  	[tilespmem:$0xF380] =	vst @p2 v7  }
0x14e: {  	v7 =	vld [tilespmem:s30+$0x20]  }
0x14f: {  	v10 =	vld [tilespmem:s30+$0x0]  }
0x150: {  	v11 =	vld [tilespmem:s30+$0x70]  }
0x151: {  	p0 =	seq.s32 s28, $0x18;
	v12 =	vld [tilespmem:s30+$0x30]  }
0x152: {  	s2 =	sadd.s32 @!p0 s29, s7;
	v13 =	vld [tilespmem:s30+$0x40]  }
0x153: {  	s2 =	sshll.u32 @!p0 s2, $0x4;
	v14 =	vld [tilespmem:s30+$0x50]  }
0x154: {  	s6 =	simm.s32 @!p0 $0x0;
	s9 =	simm.s32 @!p0 $0x2780;
	v15 =	vld [tilespmem:s30+$0x60];
	s2 =	sadd.s32 @!p0 s1, s2  }
0x155: {  	v63 =	vld [tilespmem:s30+$0x10];
	[tilespmem:s9], [sflag:$0x1] =	stream.linear.gather @!p0 [hbm4b:s2+s6], $0x6400, $0x38  }
0x156: {  	_ =	swait.ge [sflag:s18], $0x6400  }
0x157: {  	[sflag:s18] =	ssyncset.done $0x0  }
0x158: {  	[sflag:s18] =	ssyncadd.s32 $0xFFFF9C00  }
0x159: {  	v17 =	vld [tilespmem:s24+$0xFFFFFFFF];
	_ =	sdelay $0x4  }
0x15a: {  	(v2sf) =	vpush v17, $0x0;
	_ =	sdelay $0xc  }
0x15b: {  	s2 =	simm.s32 $0x1  }
0x15c: {  	s2 =	simm.s32 @!p1 $0x0  }
0x15d: {  	s31 =	sadd.s32 s2, s5;
	s2 =	spop (v2sf)  }
0x15e: {  	v8 =	vpsel p1, $0x0, v8;
	v1 =	vpsel p1, $0x0, v1;
	p5 =	sgt.s32 s31, $0x0;
	p2 =	sne.s32 s2, s0  }
0x15f: {  	v8 =	vadd.f32 v10, v8;
	v1 =	vadd.f32 v63, v1;
	p3 =	por !p5, !p2  }
0x160: {  	v3 =	vpsel p1, $0x0, v3;
	v6 =	vpsel p1, $0x0, v6;
	s5 =	sadd.f32 $1.000000000e+00, s4;
	p3 =	por !p3, !p3  }
0x161: {  	v3 =	vadd.f32 v7, v3;
	v7 =	vmul.f32 @p3 v8, v8;
	v10 =	vmul.f32 @p3 v1, v1  }
0x162: {  	v5 =	vpsel p1, $0x0, v5;
	s5 =	simm.s32 @p1 $0x3F800000;
	v6 =	vadd.f32 v12, v6  }
0x163: {  	v12 =	vmov @p3 s5;
	v7 =	vadd.f32 @p3 v10, v7;
	v10 =	vmul.f32 @p3 v3, v3  }
0x164: {  	v4 =	vpsel p1, $0x0, v4;
	v5 =	vadd.f32 v13, v5;
	v12 =	vmax.f32 @p3 v12, $1.000000000e+00  }
0x165: {  	v12 =	vbroadcast @p3 v12, $0x0;
	v7 =	vadd.f32 @p3 v10, v7;
	v10 =	vmul.f32 @p3 v6, v6  }
0x166: {  	v4 =	vadd.f32 v14, v4  }
0x167: {  	(erf) = vrcp.f32 @p3 v12;
	v7 =	vadd.f32 @p3 v10, v7;
	v10 =	vmul.f32 @p3 v5, v5  }
0x168: {  	v9 =	vpsel p1, $0x0, v9;
	v2 =	vpsel p1, $0x0, v2  }
0x169: {  	v9 =	vadd.f32 v15, v9;
	p1 =	sne.s32 s31, $0x0;
	v7 =	vadd.f32 @p3 v10, v7;
	v10 =	vmul.f32 @p3 v4, v4  }
0x16a: {  	v2 =	vadd.f32 v11, v2;
	p4 =	seq.s32 @!p1 s2, s0  }
0x16b: {  	p1 =	por p4, p1;
	v7 =	vadd.f32 @p3 v10, v7;
	v10 =	vmul.f32 @p3 v9, v9  }
0x16c: {  	[tilespmem:$0xF2F0] =	vst @!p1 v2  }
0x16d: {  	[tilespmem:$0xF2E0] =	vst @!p1 v9;
	v7 =	vadd.f32 @p3 v10, v7;
	v10 =	vmul.f32 @p3 v2, v2  }
0x16e: {  	s0 =	scvt.s32.f32 @!p1 s0;
	[tilespmem:$0xF2D0] =	vst @!p1 v4;
	v11 =	vld @p3 [tilespmem:$0xF380]  }
0x16f: {  	[tilespmem:$0xF2C0] =	vst @!p1 v5;
	vm2 =	vcmask @!p1 $0x704;
	v7 =	vadd.f32 @p3 v10, v7  }
0x170: {  	vm3 =	vcmask @!p1 $0x300;
	[tilespmem:$0xF2B0] =	vst @!p1 v6;
	v12 =	vmov @!p1 s5;
	v13 =	vpop @p3 (erf);
	v10 =	vmov @!p1 s0  }
0x171: {  	[tilespmem:$0xF2A0] =	vst @!p1 v3;
	v12 =	vnsel @!p1 vm2, $0x0, v12;
	v10 =	vnsel @!p1 vm3, $0x0, v10;
	v7 =	vmul.f32 @p3 v13, v7  }
0x172: {  	[tilespmem:$0xF290] =	vst @!p1 v1;
	v10 =	vadd.f32 @!p1 v10, v12  }
0x173: {  	[tilespmem:$0xF280] =	vst @!p1 v8;
	v7 =	vadd.f32 @p3 v11, v7  }
0x174: {  	[tilespmem:$0xF300] =	vst @!p1 v10  }
0x175: {  	[tilespmem:$0xF380] =	vst @p3 v7  }
0x176: {  	v7 =	vld [tilespmem:s24+$0x0];
	_ =	sdelay $0x4  }
0x177: {  	(v2sf) =	vpush v7, $0x0;
	_ =	sdelay $0x9  }
0x178: {  	s4 =	simm.s32 $0x0  }
0x179: {  	v10 =	vld [tilespmem:s4+$0x8B80]  }
0x17a: {  	v7 =	vld [tilespmem:s4+$0x8B90]  }
0x17b: {  	s0 =	simm.s32 $0x1  }
0x17c: {  	s0 =	simm.s32 @!p2 $0x0;
	v11 =	vld [tilespmem:s4+$0x8BA0]  }
0x17d: {  	s6 =	sadd.s32 s0, s31;
	v12 =	vld [tilespmem:s4+$0x8BB0];
	s20 =	spop (v2sf)  }
0x17e: {  	v1 =	vpsel p2, $0x0, v1;
	v8 =	vpsel p2, $0x0, v8;
	p6 =	sgt.s32 s6, $0x0;
	p1 =	sne.s32 s20, s2  }
0x17f: {  	v13 =	vld [tilespmem:s4+$0x8BC0];
	v8 =	vadd.f32 v10, v8;
	v14 =	vadd.f32 v7, v1;
	p3 =	por !p6, !p1  }
0x180: {  	s5 =	sadd.f32 $1.000000000e+00, s5;
	v1 =	vpsel p2, $0x0, v3;
	v3 =	vpsel p2, $0x0, v6;
	p3 =	por !p3, !p3  }
0x181: {  	v6 =	vld [tilespmem:s4+$0x8BD0];
	v11 =	vadd.f32 v11, v1;
	v7 =	vmul.f32 @p3 v8, v8;
	v10 =	vmul.f32 @p3 v14, v14  }
0x182: {  	s5 =	simm.s32 @p2 $0x3F800000;
	v1 =	vpsel p2, $0x0, v5;
	v5 =	vadd.f32 v12, v3  }
0x183: {  	v3 =	vmov @p3 s5;
	v7 =	vadd.f32 @p3 v10, v7;
	v10 =	vmul.f32 @p3 v11, v11  }
0x184: {  	v4 =	vpsel p2, $0x0, v4;
	v12 =	vld [tilespmem:s4+$0x8BE0];
	v13 =	vadd.f32 v13, v1;
	v1 =	vmax.f32 @p3 v3, $1.000000000e+00  }
0x185: {  	v3 =	vmul.f32 @p3 v5, v5;
	v1 =	vbroadcast @p3 v1, $0x0;
	v7 =	vadd.f32 @p3 v10, v7  }
0x186: {  	v6 =	vadd.f32 v6, v4;
	v10 =	vld [tilespmem:s4+$0x8BF0]  }
0x187: {  	(erf) = vrcp.f32 @p3 v1;
	v1 =	vmul.f32 @p3 v13, v13;
	v3 =	vadd.f32 @p3 v3, v7  }
0x188: {  	v4 =	vpsel p2, $0x0, v9  }
0x189: {  	p4 =	sne.s32 s6, $0x0;
	v4 =	vadd.f32 v12, v4;
	v7 =	vmul.f32 @p3 v6, v6;
	v1 =	vadd.f32 @p3 v1, v3  }
0x18a: {  	v2 =	vpsel p2, $0x0, v2;
	p2 =	seq.s32 @!p4 s20, s2  }
0x18b: {  	p2 =	por p2, p4;
	v12 =	vadd.f32 v10, v2;
	v2 =	vmul.f32 @p3 v4, v4;
	v1 =	vadd.f32 @p3 v7, v1  }
0x18c: {  	[tilespmem:$0xF2B0] =	vst @!p2 v5  }
0x18d: {  	[tilespmem:$0xF280] =	vst @!p2 v8;
	v3 =	vmul.f32 @p3 v12, v12;
	v1 =	vadd.f32 @p3 v2, v1  }
0x18e: {  	s0 =	scvt.s32.f32 @!p2 s2;
	[tilespmem:$0xF290] =	vst @!p2 v14;
	v2 =	vld @p3 [tilespmem:$0xF380]  }
0x18f: {  	vm2 =	vcmask @!p2 $0x300;
	[tilespmem:$0xF2C0] =	vst @!p2 v13;
	v1 =	vadd.f32 @p3 v3, v1  }
0x190: {  	vm3 =	vcmask @!p2 $0x704;
	[tilespmem:$0xF2E0] =	vst @!p2 v4;
	v7 =	vmov @!p2 s0;
	v9 =	vpop @p3 (erf);
	v3 =	vmov @!p2 s5  }
0x191: {  	[tilespmem:$0xF2D0] =	vst @!p2 v6;
	v7 =	vnsel @!p2 vm2, $0x0, v7;
	v3 =	vnsel @!p2 vm3, $0x0, v3;
	v1 =	vmul.f32 @p3 v1, v9  }
0x192: {  	[tilespmem:$0xF2A0] =	vst @!p2 v11;
	v3 =	vadd.f32 @!p2 v3, v7  }
0x193: {  	[tilespmem:$0xF2F0] =	vst @!p2 v12;
	v1 =	vadd.f32 @p3 v2, v1  }
0x194: {  	[tilespmem:$0xF300] =	vst @!p2 v3  }
0x195: {  	s0 =	sadd.s32 $0x2, s24;
	[tilespmem:$0xF380] =	vst @p3 v1  }
0x196: {  	s15 =	sadd.f32 $1.000000000e+00, s5;
	v10 =	vld [tilespmem:s0+$0xFFFFFFFF]  }
0x197: {  	s9 =	simm.s32 $0x1;
	v5 =	vpsel p1, $0x0, v5;
	v7 =	vpsel p1, $0x0, v6;
	v9 =	vld [tilespmem:s4+$0x8C00]  }
0x198: {  	s9 =	simm.s32 @!p1 $0x0;
	s15 =	simm.s32 @p1 $0x3F800000;
	v6 =	vpsel p1, $0x0, v13;
	v1 =	vpsel p1, $0x0, v4;
	v4 =	vpsel p1, $0x0, v11;
	v11 =	vld [tilespmem:s4+$0x8C10]  }
0x199: {  	s2 =	simm.s32 $0x400;
	s19 =	sadd.s32 s9, s6;
	s5 =	simm.s32 $0x800;
	v2 =	vpsel p1, $0x0, v8;
	v3 =	vpsel p1, $0x0, v14;
	v8 =	vpsel p1, $0x0, v12;
	v12 =	vld [tilespmem:s4+$0x8C20]  }
.LBB2_5:
0x19a: {  	v13 =	vld [tilespmem:s4+$0x8C30];
	s21 =	smov.u32 s5;
	s5 =	sadd.s32 $0x400, s5  }
0x19b: {  	p1 =	sne.s32 s5, $0x19000;
	(v2sf) =	vpush v10, $0x0;
	v10 =	vld [tilespmem:s4+$0x8C40]  }
0x19c: {  	v2 =	vadd.f32 v9, v2;
	v9 =	vld [tilespmem:s4+$0x8C50]  }
0x19d: {  	v3 =	vadd.f32 v11, v3;
	v11 =	vld [tilespmem:s4+$0x8C60]  }
0x19e: {  	v4 =	vadd.f32 v12, v4;
	v12 =	vld [tilespmem:s4+$0x8C70]  }
0x19f: {  	v5 =	vadd.f32 v13, v5  }
0x1a0: {  	v6 =	vadd.f32 v10, v6  }
0x1a1: {  	v7 =	vadd.f32 v9, v7  }
0x1a2: {  	v1 =	vadd.f32 v11, v1  }
0x1a3: {  	v8 =	vadd.f32 v12, v8;
	_ =	sdelay $0x6  }
0x1a4: {  	p3 =	sne.s32 s19, $0x0;
	p4 =	sgt.s32 s19, $0x0;
	s6 =	spop (v2sf)  }
0x1a5: {  	s22 =	simm.s32 $0x1;
	p2 =	sne.s32 s6, s20;
	p5 =	seq.s32 @!p3 s6, s20  }
0x1a6: {  	p4 =	por !p4, !p2;
	p3 =	por p5, p3;
	s22 =	simm.s32 @!p2 $0x0  }
0x1a7: {  	p4 =	por !p4, !p4;
	s4 =	scvt.s32.f32 @!p3 s20;
	v9 =	vmov @!p3 s15;
	vm2 =	vcmask @!p3 $0x704  }
0x1a8: {  	v10 =	vmul.f32 @p4 v2, v2;
	v11 =	vmul.f32 @p4 v3, v3;
	v12 =	vmov @p4 s15  }
0x1a9: {  	vm3 =	vcmask @!p3 $0x300;
	v13 =	vmov @!p3 s4;
	v12 =	vmax.f32 @p4 v12, $1.000000000e+00  }
0x1aa: {  	v10 =	vadd.f32 @p4 v11, v10;
	v11 =	vmul.f32 @p4 v4, v4;
	v12 =	vbroadcast @p4 v12, $0x0  }
0x1ab: {  	v9 =	vnsel @!p3 vm2, $0x0, v9;
	v13 =	vnsel @!p3 vm3, $0x0, v13  }
0x1ac: {  	v10 =	vadd.f32 @p4 v11, v10;
	v11 =	vmul.f32 @p4 v5, v5;
	(erf) = vrcp.f32 @p4 v12  }
0x1ad: {  	v9 =	vadd.f32 @!p3 v13, v9  }
0x1ae: {  	v10 =	vadd.f32 @p4 v11, v10;
	v11 =	vmul.f32 @p4 v6, v6;
	_ =	sdelay $0x1  }
0x1af: {  	v10 =	vadd.f32 @p4 v11, v10;
	v11 =	vmul.f32 @p4 v7, v7;
	_ =	sdelay $0x1  }
0x1b0: {  	v10 =	vadd.f32 @p4 v11, v10;
	v11 =	vmul.f32 @p4 v1, v1  }
0x1b1: {  	[tilespmem:$0xF2F0] =	vst @!p3 v8  }
0x1b2: {  	[tilespmem:$0xF2E0] =	vst @!p3 v1;
	v10 =	vadd.f32 @p4 v11, v10;
	v11 =	vmul.f32 @p4 v8, v8  }
0x1b3: {  	[tilespmem:$0xF2D0] =	vst @!p3 v7;
	v12 =	vld @p4 [tilespmem:$0xF380];
	v13 =	vpop @p4 (erf)  }
0x1b4: {  	[tilespmem:$0xF2C0] =	vst @!p3 v6;
	v10 =	vadd.f32 @p4 v11, v10  }
0x1b5: {  	[tilespmem:$0xF2B0] =	vst @!p3 v5  }
0x1b6: {  	[tilespmem:$0xF2A0] =	vst @!p3 v4;
	v10 =	vmul.f32 @p4 v13, v10  }
0x1b7: {  	[tilespmem:$0xF290] =	vst @!p3 v3  }
0x1b8: {  	[tilespmem:$0xF280] =	vst @!p3 v2;
	v10 =	vadd.f32 @p4 v12, v10  }
0x1b9: {  	[tilespmem:$0xF300] =	vst @!p3 v9  }
0x1ba: {  	[tilespmem:$0xF380] =	vst @p4 v10  }
0x1bb: {  	s4 =	sshra.s32 s2, $0x2;
	s2 =	smov.u32 s21;
	v9 =	vld [tilespmem:s0+$0x0]  }
0x1bc: {  	v10 =	vld [tilespmem:s4+$0x8BB0]  }
0x1bd: {  	v11 =	vld [tilespmem:s4+$0x8BC0]  }
0x1be: {  	v12 =	vld [tilespmem:s4+$0x8BE0];
	_ =	sdelay $0x1  }
0x1bf: {  	(v2sf) =	vpush v9, $0x0;
	_ =	sdelay $0xa  }
0x1c0: {  	v9 =	vld [tilespmem:s4+$0x8B90]  }
0x1c1: {  	s9 =	sadd.f32 $1.000000000e+00, s15;
	v13 =	vld [tilespmem:s4+$0x8B80]  }
0x1c2: {  	s19 =	sadd.s32 s22, s19;
	v8 =	vpsel p2, $0x0, v8;
	v7 =	vpsel p2, $0x0, v7  }
0x1c3: {  	s9 =	simm.s32 @p2 $0x3F800000;
	p5 =	sgt.s32 s19, $0x0;
	v1 =	vpsel p2, $0x0, v1;
	v4 =	vpsel p2, $0x0, v4;
	v3 =	vpsel p2, $0x0, v3;
	v14 =	vld [tilespmem:s4+$0x8BA0]  }
0x1c4: {  	s15 =	sadd.f32 $1.000000000e+00, s9;
	v6 =	vpsel p2, $0x0, v6;
	v5 =	vpsel p2, $0x0, v5;
	p3 =	sne.s32 s19, $0x0;
	v12 =	vadd.f32 v12, v1;
	v15 =	vld [tilespmem:s4+$0x8BD0];
	s20 =	spop (v2sf)  }
0x1c5: {  	s21 =	simm.s32 $0x1;
	v5 =	vadd.f32 v10, v5;
	v6 =	vadd.f32 v11, v6;
	v1 =	vpsel p2, $0x0, v2;
	p4 =	sne.s32 s20, s6;
	p2 =	seq.s32 @!p3 s20, s6  }
0x1c6: {  	v3 =	vadd.f32 v9, v3;
	v2 =	vadd.f32 v13, v1;
	v9 =	vld [tilespmem:s4+$0x8BF0];
	p5 =	por !p5, !p4;
	p2 =	por p2, p3;
	s21 =	simm.s32 @!p4 $0x0;
	v1 =	vpsel p4, $0x0, v12  }
0x1c7: {  	p3 =	por !p5, !p5;
	[tilespmem:$0xF2B0] =	vst @!p2 v5;
	s6 =	scvt.s32.f32 @!p2 s6;
	vm2 =	vcmask @!p2 $0x300;
	v10 =	vmov @!p2 s9;
	vm3 =	vcmask @!p2 $0x704;
	s19 =	sadd.s32 s21, s19  }
0x1c8: {  	s15 =	simm.s32 @p4 $0x3F800000;
	[tilespmem:$0xF280] =	vst @!p2 v2;
	v10 =	vnsel @!p2 vm3, $0x0, v10;
	v11 =	vmul.f32 @p3 v2, v2;
	v13 =	vmul.f32 @p3 v3, v3  }
0x1c9: {  	v14 =	vadd.f32 v14, v4;
	v16 =	vmov @p3 s9;
	[tilespmem:$0xF290] =	vst @!p2 v3;
	v4 =	vmov @!p2 s6  }
0x1ca: {  	[tilespmem:$0xF2C0] =	vst @!p2 v6;
	v4 =	vnsel @!p2 vm2, $0x0, v4;
	v11 =	vadd.f32 @p3 v13, v11;
	v13 =	vmax.f32 @p3 v16, $1.000000000e+00  }
0x1cb: {  	v9 =	vadd.f32 v9, v8;
	v8 =	vmul.f32 @p3 v14, v14;
	v13 =	vbroadcast @p3 v13, $0x0  }
0x1cc: {  	v7 =	vadd.f32 v15, v7;
	v15 =	vmul.f32 @p3 v5, v5;
	v10 =	vadd.f32 @!p2 v10, v4;
	[tilespmem:$0xF2E0] =	vst @!p2 v12  }
0x1cd: {  	v4 =	vpsel p4, $0x0, v14;
	[tilespmem:$0xF2F0] =	vst @!p2 v9;
	v8 =	vadd.f32 @p3 v8, v11;
	(erf) = vrcp.f32 @p3 v13  }
0x1ce: {  	v11 =	vmul.f32 @p3 v6, v6;
	v13 =	vmul.f32 @p3 v7, v7;
	[tilespmem:$0xF2D0] =	vst @!p2 v7;
	v7 =	vpsel p4, $0x0, v7  }
0x1cf: {  	v2 =	vpsel p4, $0x0, v2;
	v3 =	vpsel p4, $0x0, v3;
	v15 =	vadd.f32 @p3 v15, v8  }
0x1d0: {  	v5 =	vpsel p4, $0x0, v5;
	v6 =	vpsel p4, $0x0, v6;
	v8 =	vpsel p4, $0x0, v9  }
0x1d1: {  	v11 =	vadd.f32 @p3 v11, v15  }
0x1d2: {  	v12 =	vmul.f32 @p3 v12, v12  }
0x1d3: {  	v11 =	vadd.f32 @p3 v13, v11  }
0x1d4: {  	v9 =	vmul.f32 @p3 v9, v9  }
0x1d5: {  	v11 =	vadd.f32 @p3 v12, v11;
	v12 =	vld @p3 [tilespmem:$0xF380]  }
0x1d6: {  	v13 =	vpop @p3 (erf)  }
0x1d7: {  	v9 =	vadd.f32 @p3 v9, v11;
	_ =	sdelay $0x1  }
0x1d8: {  	v9 =	vmul.f32 @p3 v9, v13;
	_ =	sdelay $0x1  }
0x1d9: {  	[tilespmem:$0xF2A0] =	vst @!p2 v14;
	v9 =	vadd.f32 @p3 v12, v9  }
0x1da: {  	s0 =	sadd.s32 $0x2, s0;
	[tilespmem:$0xF300] =	vst @!p2 v10  }
.Ltmp3:
0x1db: {  	[tilespmem:$0xF380] =	vst @p3 v9;
	(pc) =	sbr.rel @p1 .LBB2_5-.Ltmp3, $4  }
0x1dc: {  	v10 =	vld [tilespmem:s0+$0xFFFFFFFF]  }
0x1dd: {  	v9 =	vld [tilespmem:s4+$0x8C00]  }
0x1de: {  	v11 =	vld [tilespmem:s4+$0x8C10]  }
0x1df: {  	v12 =	vld [tilespmem:s4+$0x8C20]  }
0x1e0: {  	_ = 	snop  }
0x1e1: {  	(v2sf) =	vpush v10, $0x0;
	_ =	sdelay $0xe  }
0x1e2: {  	v10 =	vld [tilespmem:s4+$0x8C30];
	s5 =	spop (v2sf)  }
0x1e3: {  	p2 =	sgt.s32 s19, $0x0;
	p1 =	sne.s32 s5, s20  }
0x1e4: {  	v13 =	vld [tilespmem:s4+$0x8C40];
	v2 =	vadd.f32 v9, v2;
	v3 =	vadd.f32 v11, v3;
	p2 =	por !p2, !p1  }
0x1e5: {  	p2 =	por !p2, !p2  }
0x1e6: {  	v9 =	vld [tilespmem:s4+$0x8C50];
	v4 =	vadd.f32 v12, v4;
	v11 =	vmul.f32 @p2 v2, v2;
	v12 =	vmul.f32 @p2 v3, v3  }
0x1e7: {  	v5 =	vadd.f32 v10, v5  }
0x1e8: {  	v10 =	vmov @p2 s15;
	v11 =	vadd.f32 @p2 v12, v11;
	v12 =	vmul.f32 @p2 v4, v4  }
0x1e9: {  	v14 =	vld [tilespmem:s4+$0x8C60];
	v6 =	vadd.f32 v13, v6;
	v10 =	vmax.f32 @p2 v10, $1.000000000e+00  }
0x1ea: {  	v56 =	vld [tilespmem:s4+$0x8C70];
	v10 =	vbroadcast @p2 v10, $0x0;
	v11 =	vadd.f32 @p2 v12, v11;
	v12 =	vmul.f32 @p2 v5, v5  }
0x1eb: {  	v7 =	vadd.f32 v9, v7  }
0x1ec: {  	(erf) = vrcp.f32 @p2 v10;
	v10 =	vmul.f32 @p2 v6, v6;
	v9 =	vadd.f32 @p2 v12, v11;
	_ =	sdelay $0x1  }
0x1ed: {  	p3 =	sne.s32 s19, $0x0;
	v1 =	vadd.f32 v14, v1;
	v9 =	vadd.f32 @p2 v10, v9;
	v10 =	vmul.f32 @p2 v7, v7  }
0x1ee: {  	v8 =	vadd.f32 v56, v8;
	p4 =	seq.s32 @!p3 s5, s20  }
0x1ef: {  	p3 =	por p4, p3;
	v9 =	vadd.f32 @p2 v10, v9;
	v10 =	vmul.f32 @p2 v1, v1  }
0x1f0: {  	[tilespmem:$0xF2F0] =	vst @!p3 v8  }
0x1f1: {  	[tilespmem:$0xF2E0] =	vst @!p3 v1;
	v9 =	vadd.f32 @p2 v10, v9;
	v10 =	vmul.f32 @p2 v8, v8  }
0x1f2: {  	s4 =	scvt.s32.f32 @!p3 s20;
	[tilespmem:$0xF2D0] =	vst @!p3 v7;
	v11 =	vld @p2 [tilespmem:$0xF380]  }
0x1f3: {  	[tilespmem:$0xF2C0] =	vst @!p3 v6;
	vm2 =	vcmask @!p3 $0x704;
	v9 =	vadd.f32 @p2 v10, v9  }
0x1f4: {  	vm3 =	vcmask @!p3 $0x300;
	[tilespmem:$0xF2B0] =	vst @!p3 v5;
	v12 =	vmov @!p3 s15;
	v13 =	vpop @p2 (erf);
	v10 =	vmov @!p3 s4  }
0x1f5: {  	[tilespmem:$0xF2A0] =	vst @!p3 v4;
	v12 =	vnsel @!p3 vm2, $0x0, v12;
	v10 =	vnsel @!p3 vm3, $0x0, v10;
	v9 =	vmul.f32 @p2 v13, v9  }
0x1f6: {  	[tilespmem:$0xF290] =	vst @!p3 v3;
	v10 =	vadd.f32 @!p3 v10, v12  }
0x1f7: {  	[tilespmem:$0xF280] =	vst @!p3 v2;
	v9 =	vadd.f32 @p2 v11, v9  }
0x1f8: {  	[tilespmem:$0xF300] =	vst @!p3 v10  }
0x1f9: {  	[tilespmem:$0xF380] =	vst @p2 v9  }
0x1fa: {  	v9 =	vld [tilespmem:s0+$0x0];
	_ =	sdelay $0x4  }
0x1fb: {  	(v2sf) =	vpush v9, $0x0;
	_ =	sdelay $0x9  }
0x1fc: {  	s30 =	sshra.s32 s2, $0x2  }
0x1fd: {  	v10 =	vld [tilespmem:s30+$0x8B80]  }
0x1fe: {  	v9 =	vld [tilespmem:s30+$0x8B90]  }
0x1ff: {  	s0 =	simm.s32 $0x1  }
0x200: {  	v11 =	vld [tilespmem:s30+$0x8BA0];
	s0 =	simm.s32 @!p1 $0x0  }
0x201: {  	v57 =	vld [tilespmem:s30+$0x8BB0];
	s31 =	sadd.s32 s0, s19;
	s0 =	spop (v2sf)  }
0x202: {  	v3 =	vpsel p1, $0x0, v3;
	v2 =	vpsel p1, $0x0, v2;
	p6 =	sgt.s32 s31, $0x0;
	p2 =	sne.s32 s0, s5  }
0x203: {  	v58 =	vld [tilespmem:s30+$0x8BC0];
	v2 =	vadd.f32 v10, v2;
	v3 =	vadd.f32 v9, v3;
	p3 =	por !p6, !p2  }
0x204: {  	s6 =	sadd.f32 $1.000000000e+00, s15;
	v4 =	vpsel p1, $0x0, v4;
	v5 =	vpsel p1, $0x0, v5;
	p3 =	por !p3, !p3  }
0x205: {  	v4 =	vadd.f32 v11, v4;
	v9 =	vld [tilespmem:s30+$0x8BD0];
	v10 =	vmul.f32 @p3 v2, v2;
	v14 =	vmul.f32 @p3 v3, v3  }
0x206: {  	s6 =	simm.s32 @p1 $0x3F800000;
	v6 =	vpsel p1, $0x0, v6;
	v5 =	vadd.f32 v57, v5  }
0x207: {  	v11 =	vmov @p3 s6;
	v12 =	vmul.f32 @p3 v4, v4;
	v10 =	vadd.f32 @p3 v14, v10  }
0x208: {  	v7 =	vpsel p1, $0x0, v7;
	v59 =	vld [tilespmem:s30+$0x8BE0];
	v6 =	vadd.f32 v58, v6;
	v11 =	vmax.f32 @p3 v11, $1.000000000e+00  }
0x209: {  	v13 =	vmul.f32 @p3 v5, v5;
	v11 =	vbroadcast @p3 v11, $0x0;
	v10 =	vadd.f32 @p3 v12, v10  }
0x20a: {  	v60 =	vld [tilespmem:s30+$0x8BF0];
	v7 =	vadd.f32 v9, v7  }
0x20b: {  	v9 =	vmul.f32 @p3 v6, v6;
	(erf) = vrcp.f32 @p3 v11;
	v10 =	vadd.f32 @p3 v13, v10  }
0x20c: {  	v1 =	vpsel p1, $0x0, v1  }
0x20d: {  	p4 =	sne.s32 s31, $0x0;
	v1 =	vadd.f32 v59, v1;
	v11 =	vmul.f32 @p3 v7, v7;
	v9 =	vadd.f32 @p3 v9, v10  }
0x20e: {  	v8 =	vpsel p1, $0x0, v8;
	p1 =	seq.s32 @!p4 s0, s5  }
0x20f: {  	p1 =	por p1, p4;
	v10 =	vadd.f32 v60, v8;
	v8 =	vmul.f32 @p3 v1, v1;
	v9 =	vadd.f32 @p3 v11, v9  }
0x210: {  	[tilespmem:$0xF2B0] =	vst @!p1 v5  }
0x211: {  	[tilespmem:$0xF280] =	vst @!p1 v2;
	v11 =	vmul.f32 @p3 v10, v10;
	v8 =	vadd.f32 @p3 v8, v9  }
0x212: {  	s5 =	scvt.s32.f32 @!p1 s5;
	[tilespmem:$0xF290] =	vst @!p1 v3;
	v9 =	vld @p3 [tilespmem:$0xF380]  }
0x213: {  	vm2 =	vcmask @!p1 $0x300;
	[tilespmem:$0xF2C0] =	vst @!p1 v6;
	v8 =	vadd.f32 @p3 v11, v8  }
0x214: {  	vm3 =	vcmask @!p1 $0x704;
	[tilespmem:$0xF2E0] =	vst @!p1 v1;
	v12 =	vmov @!p1 s5;
	v13 =	vpop @p3 (erf);
	v11 =	vmov @!p1 s6  }
0x215: {  	[tilespmem:$0xF2D0] =	vst @!p1 v7;
	v12 =	vnsel @!p1 vm2, $0x0, v12;
	v11 =	vnsel @!p1 vm3, $0x0, v11;
	v8 =	vmul.f32 @p3 v8, v13  }
0x216: {  	[tilespmem:$0xF2A0] =	vst @!p1 v4;
	v11 =	vadd.f32 @!p1 v11, v12  }
0x217: {  	[tilespmem:$0xF2F0] =	vst @!p1 v10;
	v8 =	vadd.f32 @p3 v9, v8  }
0x218: {  	[tilespmem:$0xF300] =	vst @!p1 v11  }
0x219: {  	[tilespmem:$0xF380] =	vst @p3 v8  }
0x21a: {  	v8 =	vld [tilespmem:s30+$0x8C00]  }
0x21b: {  	v11 =	vld [tilespmem:s30+$0x8C10]  }
0x21c: {  	v61 =	vld [tilespmem:s30+$0x8C20]  }
0x21d: {  	v62 =	vld [tilespmem:s30+$0x8C30]  }
0x21e: {  	v63 =	vld [tilespmem:s30+$0x8C40]  }
0x21f: {  	v15 =	vld [tilespmem:s30+$0x8C50]  }
0x220: {  	v16 =	vld [tilespmem:s30+$0x8C60]  }
0x221: {  	v18 =	vpsel p2, $0x0, v7;
	v4 =	vpsel p2, $0x0, v4;
	v17 =	vld [tilespmem:s30+$0x8C70]  }
.Ltmp4:
0x222: {  	v2 =	vpsel p2, $0x0, v2;
	v3 =	vpsel p2, $0x0, v3;
	v5 =	vpsel p2, $0x0, v5;
	(pc) =	sbr.rel @p0 .LBB2_8-.Ltmp4, $4  }
0x223: {  	v1 =	vpsel p2, $0x0, v1;
	v9 =	vadd.f32 v8, v2;
	v8 =	vadd.f32 v11, v3  }
0x224: {  	s4 =	sadd.f32 $1.000000000e+00, s6;
	s5 =	simm.s32 $0x1;
	v2 =	vpsel p2, $0x0, v6;
	v7 =	vadd.f32 v61, v4;
	v6 =	vadd.f32 v62, v5  }
0x225: {  	s5 =	simm.s32 @!p2 $0x0;
	v10 =	vpsel p2, $0x0, v10;
	v4 =	vadd.f32 v15, v18;
	v3 =	vadd.f32 v16, v1  }
0x226: {  	s4 =	simm.s32 @p2 $0x3F800000;
	s6 =	sadd.s32 s5, s31;
	v5 =	vadd.f32 v63, v2;
	v2 =	vadd.f32 v17, v10  }
.Ltmp5:
0x227: {  	(pc) =	sbr.rel .LBB2_2-.Ltmp5, $4  }
0x228: {  	s2 =	sadd.s32 s29, s8  }
0x229: {  	s28 =	sadd.s32 $0x1, s28;
	s26 =	sadd.s32 $0xFFFFF9C0, s26;
	s2 =	sshll.u32 s2, $0x4  }
0x22a: {  	s25 =	sadd.s32 $0x190, s25;
	s24 =	sadd.s32 $0x190, s24;
	s2 =	sadd.s32 s1, s2  }
0x22b: {  	[tilespmem:s16], [sflag:$0x2] =	stream.linear.gather [hbm4b:s2+s3], $0x6400, $0x38;
	[tilespmem:$0xF400] =	vst v63  }
.LBB2_9:
0x22c: {  	_ =	sfence.sel $0x180000  }
0x22d: {  	[bflag:$0x0] =	sbarrier.arrive $0xFFFF  }
0x22e: {  	_ =	strace $0x90000047  }
0x22f: {  	s0 =	stileid.u32;
	[bflag:$0x2] =	sbarrier.arrive $0xFFFF  }
0x230: {  	p0 =	sne.s32 s0, $0x0;
	s0 =	rddreg [dreg:$0x3]  }
0x231: {  	s0 =	sadd.s32 @!p0 $0x100000, s0  }
0x232: {  	[sflag:s0] =	ssyncadd.tile.s32 @!p0 $0x1;
	_ =	shalt  }
.Lfunc_end2:
_tile_overlayer_lowered:
.L_overlay_start_2:
0x233: {  	(tag) =	ssettag $0x2  }
0x234: {  	s0 =	rddreg [dreg:$0x0];
	s2 =	stileid.u32  }
0x235: {  	s1 =	rddreg [dreg:$0x1];
	p0 =	sne.s32 s2, $0x0  }
0x236: {  	s3 =	rddreg [dreg:$0x2];
	[bflag:$0x3] =	sbarrier.arrive $0xFFFF;
	s2 =	simm.s32 @!p0 $0x1C03  }
0x237: {  	[timem:s3], [sflag:s2] =	dma.local @!p0 [hbm:s0], s1  }
0x238: {  	s0 =	simm.s32 @!p0 $0x3  }
0x239: {  	_ =	swait.ge @!p0 [sflag:s0], s1  }
0x23a: {  	s1 =	ssub.s32 @!p0 $0x0, s1;
	[sflag:s0] =	ssyncset.done @!p0 $0x0  }
0x23b: {  	[sflag:s0] =	ssyncadd.s32 @!p0 s1  }
0x23c: {  	[bflag:$0x3] =	sbarrier.arrive $0xFFFF  }
0x23d: {  	_ =	shalt  }

</sc_bundles>
